<compile_context>
chip_gen: v7x
topology: tpu7x:2x2x1
jax: 0.10.2.dev20260603
libtpu: 0.0.44.dev20260713+nightly
codegen_flags: <defaults>
</compile_context>

<pallas_src>
import functools

import jax
import jax.numpy as jnp
from jax import lax
from jax.experimental import pallas as pl
from jax.experimental.pallas import tpu as pltpu
from jax.experimental.pallas import tpu_sc as plsc


def _info():
    info = plsc.get_sparse_core_info()
    return info.num_cores, info.num_subcores


@functools.lru_cache(maxsize=None)
def _make_gather(vocab, dim, num_rows):
    nc, ns = _info()
    num_workers = nc * ns
    assert num_rows % (8 * num_workers) == 0
    rows_per_worker = num_rows // num_workers

    chunk = 1600
    while rows_per_worker % chunk:
        chunk //= 2
    n_chunks = rows_per_worker // chunk

    mesh = plsc.VectorSubcoreMesh(core_axis_name="c", subcore_axis_name="s")

    @functools.partial(
        pl.kernel,
        out_type=jax.ShapeDtypeStruct((num_rows, 128), jnp.float32),
        mesh=mesh,
        compiler_params=pltpu.CompilerParams(use_tc_tiling_on_sc=False),
        scratch_types=[
            pltpu.VMEM((rows_per_worker,), jnp.int32),
            pltpu.VMEM((chunk, dim), jnp.float32),
            pltpu.VMEM((chunk, dim), jnp.float32),
            pltpu.SemaphoreType.DMA,
            pltpu.SemaphoreType.DMA,
            pltpu.SemaphoreType.DMA,
            pltpu.SemaphoreType.DMA,
        ],
    )
    def gather_kernel(table_hbm, idx_hbm, out_hbm, idx_v, rows0, rows1,
                      sg0, sg1, sw0, sw1):
        rows = [rows0, rows1]
        sg = [sg0, sg1]
        sw = [sw0, sw1]
        wid = lax.axis_index("s") * nc + lax.axis_index("c")
        base = wid * rows_per_worker

        pltpu.sync_copy(idx_hbm.at[pl.ds(base, rows_per_worker)], idx_v)

        def start_gather(i):
            b = i % 2
            pltpu.async_copy(
                table_hbm.at[idx_v.at[pl.ds(i * chunk, chunk)]], rows[b], sg[b])

        def wait_gather(i):
            b = i % 2
            pltpu.make_async_copy(
                table_hbm.at[idx_v.at[pl.ds(i * chunk, chunk)]], rows[b],
                sg[b]).wait()

        def start_wb(i):
            b = i % 2
            pltpu.async_copy(
                rows[b],
                out_hbm.at[pl.ds(base + i * chunk, chunk), pl.ds(0, dim)],
                sw[b])

        def wait_wb(i):
            b = i % 2
            pltpu.make_async_copy(
                rows[b],
                out_hbm.at[pl.ds(base + i * chunk, chunk), pl.ds(0, dim)],
                sw[b]).wait()

        start_gather(0)
        for i in range(1, n_chunks):
            wait_gather(i - 1)
            start_wb(i - 1)
            if i >= 2:
                wait_wb(i)
            start_gather(i)
        wait_gather(n_chunks - 1)
        start_wb(n_chunks - 1)
        wait_wb(n_chunks - 2)
        wait_wb(n_chunks - 1)

    return gather_kernel


def kernel(x, embedding_matrix):
    batch, hist = x.shape
    vocab, dim = embedding_matrix.shape
    flat_idx = x.reshape(-1)
    gather = _make_gather(vocab, dim, batch * hist)
    out_pad = gather(embedding_matrix, flat_idx)
    return out_pad[:, :dim].reshape(batch, hist, dim)

# --- scband reference (transcript-rebuilt; emitter-appended) ---
"""Pipeline reference for scband-embedding-pre-trained-57320633532825 (READ-ONLY COPY).

The authoritative reference and input builder live on the scoring server;
editing this copy changes nothing except your own understanding.
"""

import jax, jax.numpy as jnp
import numpy as np

VOCAB = 1000000
EMBED_DIM = 32
BATCH = 4096
HIST = 200


def setup_inputs(seed: int = 0) -> dict:
    key = jax.random.key(seed)
    k_idx, k_tab = jax.random.split(key)
    x = jax.random.randint(k_idx, (BATCH, HIST), 0, VOCAB, dtype=jnp.int64 if jax.config.jax_enable_x64 else jnp.int32)
    # pretrained embedding matrix (e.g. word2vec/glove), materialized as a param
    embedding_matrix = jax.random.normal(k_tab, (VOCAB, EMBED_DIM), dtype=jnp.float32)
    return {"x": x, "embedding_matrix": embedding_matrix}


def reference(x, embedding_matrix):
    # nn.Embedding.from_pretrained(...)(x) -> row gather
    return jnp.take(embedding_matrix, x, axis=0)

if __name__ == "__main__":
    import jax
    _d = setup_inputs()
    print(jax.jit(kernel)(*tuple(_d.values())))

</pallas_src>

<mosaic_0001>
#map = affine_map<(d0, d1) -> (0, 0)>
#map1 = affine_map<(d0, d1) -> (0)>
module attributes {stable_mosaic.version = 14 : i64} {
  func.func @gather_kernel(%arg0: i32, %arg1: i32, %arg2: memref<1000000x32xf32, #tpu.memory_space<hbm>>, %arg3: memref<819200xi32, #tpu.memory_space<hbm>>, %arg4: memref<819200x128xf32, #tpu.memory_space<hbm>>, %arg5: memref<25600xi32, #tpu.memory_space<vmem>>, %arg6: memref<1600x32xf32, #tpu.memory_space<vmem>>, %arg7: memref<1600x32xf32, #tpu.memory_space<vmem>>, %arg8: memref<!tpu.dma_semaphore, #tpu.memory_space<semaphore_mem>>, %arg9: memref<!tpu.dma_semaphore, #tpu.memory_space<semaphore_mem>>, %arg10: memref<!tpu.dma_semaphore, #tpu.memory_space<semaphore_mem>>, %arg11: memref<!tpu.dma_semaphore, #tpu.memory_space<semaphore_mem>>) attributes {dimension_semantics = [#tpu.dimension_semantics<core_parallel>, #tpu.dimension_semantics<subcore_parallel>], iteration_bounds = array<i64: 2, 16>, scalar_prefetch = 0 : i64, scratch_operands = 7 : i64, tpu.core_type = #tpu.core_type<sc_vector_subcore>, window_params = [{transform_indices = #map}, {transform_indices = #map1}, {transform_indices = #map}]} {
    %mul3A = arith.constant 2 : i32
    %mul3A_0 = arith.muli %arg1, %mul3A : i32
    %add3A = arith.addi %mul3A_0, %arg0 : i32
    %mul3A_1 = arith.constant 25600 : i32
    %mul3A_2 = arith.muli %add3A, %mul3A_1 : i32
    "tpu.region"() ({
      %run_scoped3A = tpu.sem_alloc : memref<!tpu.dma_semaphore, #tpu.memory_space<semaphore_mem>>
      %dma_start3A_353 = tpu.memref_slice %arg3[%mul3A_2] : memref<819200xi32, #tpu.memory_space<hbm>> -> memref<25600xi32, #tpu.memory_space<hbm>>
      %dma_start3A_354 = tpu.memref_slice %arg3[%mul3A_2] : memref<819200xi32, #tpu.memory_space<hbm>> -> memref<25600xi32, #tpu.memory_space<hbm>>
      tpu.enqueue_dma source(%dma_start3A_354 : memref<25600xi32, #tpu.memory_space<hbm>>) target(%arg5 : memref<25600xi32, #tpu.memory_space<vmem>>) target_semaphore(%run_scoped3A : memref<!tpu.dma_semaphore, #tpu.memory_space<semaphore_mem>>)
      %dma_wait3A_355 = tpu.memref_slice %arg3[%mul3A_2] : memref<819200xi32, #tpu.memory_space<hbm>> -> memref<25600xi32, #tpu.memory_space<hbm>>
      %dma_wait3A_356 = tpu.memref_slice %arg3[%mul3A_2] : memref<819200xi32, #tpu.memory_space<hbm>> -> memref<25600xi32, #tpu.memory_space<hbm>>
      tpu.wait_dma2 semaphore(%run_scoped3A : memref<!tpu.dma_semaphore, #tpu.memory_space<semaphore_mem>>) src(%dma_wait3A_356 : memref<25600xi32, #tpu.memory_space<hbm>>) dst(%arg5 : memref<25600xi32, #tpu.memory_space<vmem>>)
      tpu.yield
    }) : () -> ()
    %dma_start3A = arith.constant 0 : i32
    %dma_start3A_3 = tpu.memref_slice %arg5[%dma_start3A] : memref<25600xi32, #tpu.memory_space<vmem>> -> memref<1600xi32, #tpu.memory_space<vmem>>
    %dma_start3A_4 = arith.constant 0 : i32
    %dma_start3A_5 = arith.constant 0 : i32
    %dma_start3A_6 = tpu.memref_slice %arg2[%dma_start3A_4, %dma_start3A_5] : memref<1000000x32xf32, #tpu.memory_space<hbm>> -> memref<1000000x32xf32, #tpu.memory_space<hbm>>
    tpu.enqueue_indirect_dma source(%dma_start3A_6 : memref<1000000x32xf32, #tpu.memory_space<hbm>>) target(%arg6 : memref<1600x32xf32, #tpu.memory_space<vmem>>) offsets(%dma_start3A_3 : memref<1600xi32, #tpu.memory_space<vmem>>) semaphore(%arg8 : memref<!tpu.dma_semaphore, #tpu.memory_space<semaphore_mem>>)
    %dma_wait3A = arith.constant 0 : i32
    %dma_wait3A_7 = tpu.memref_slice %arg5[%dma_wait3A] : memref<25600xi32, #tpu.memory_space<vmem>> -> memref<1600xi32, #tpu.memory_space<vmem>>
    %dma_wait3A_8 = arith.constant 0 : i32
    %dma_wait3A_9 = arith.constant 0 : i32
    %dma_wait3A_10 = tpu.memref_slice %arg2[%dma_wait3A_8, %dma_wait3A_9] : memref<1000000x32xf32, #tpu.memory_space<hbm>> -> memref<1000000x32xf32, #tpu.memory_space<hbm>>
    tpu.wait_indirect_dma semaphore(%arg8 : memref<!tpu.dma_semaphore, #tpu.memory_space<semaphore_mem>>) src(%dma_wait3A_10 : memref<1000000x32xf32, #tpu.memory_space<hbm>>) dst(%arg6 : memref<1600x32xf32, #tpu.memory_space<vmem>>)
    %add3A_11 = arith.constant 0 : i32
    %add3A_12 = arith.addi %mul3A_2, %add3A_11 : i32
    %dma_start3A_13 = arith.constant 0 : i32
    %dma_start3A_14 = tpu.memref_slice %arg4[%add3A_12, %dma_start3A_13] : memref<819200x128xf32, #tpu.memory_space<hbm>> -> memref<1600x32xf32, #tpu.memory_space<hbm>>
    %dma_start3A_15 = arith.constant 0 : i32
    %dma_start3A_16 = tpu.memref_slice %arg4[%add3A_12, %dma_start3A_15] : memref<819200x128xf32, #tpu.memory_space<hbm>> -> memref<1600x32xf32, #tpu.memory_space<hbm>>
    tpu.enqueue_dma source(%arg6 : memref<1600x32xf32, #tpu.memory_space<vmem>>) target(%dma_start3A_16 : memref<1600x32xf32, #tpu.memory_space<hbm>>) target_semaphore(%arg10 : memref<!tpu.dma_semaphore, #tpu.memory_space<semaphore_mem>>)
    %dma_start3A_17 = arith.constant 1600 : i32
    %dma_start3A_18 = tpu.memref_slice %arg5[%dma_start3A_17] : memref<25600xi32, #tpu.memory_space<vmem>> -> memref<1600xi32, #tpu.memory_space<vmem>>
    %dma_start3A_19 = arith.constant 0 : i32
    %dma_start3A_20 = arith.constant 0 : i32
    %dma_start3A_21 = tpu.memref_slice %arg2[%dma_start3A_19, %dma_start3A_20] : memref<1000000x32xf32, #tpu.memory_space<hbm>> -> memref<1000000x32xf32, #tpu.memory_space<hbm>>
    tpu.enqueue_indirect_dma source(%dma_start3A_21 : memref<1000000x32xf32, #tpu.memory_space<hbm>>) target(%arg7 : memref<1600x32xf32, #tpu.memory_space<vmem>>) offsets(%dma_start3A_18 : memref<1600xi32, #tpu.memory_space<vmem>>) semaphore(%arg9 : memref<!tpu.dma_semaphore, #tpu.memory_space<semaphore_mem>>)
    %dma_wait3A_22 = arith.constant 1600 : i32
    %dma_wait3A_23 = tpu.memref_slice %arg5[%dma_wait3A_22] : memref<25600xi32, #tpu.memory_space<vmem>> -> memref<1600xi32, #tpu.memory_space<vmem>>
    %dma_wait3A_24 = arith.constant 0 : i32
    %dma_wait3A_25 = arith.constant 0 : i32
    %dma_wait3A_26 = tpu.memref_slice %arg2[%dma_wait3A_24, %dma_wait3A_25] : memref<1000000x32xf32, #tpu.memory_space<hbm>> -> memref<1000000x32xf32, #tpu.memory_space<hbm>>
    tpu.wait_indirect_dma semaphore(%arg9 : memref<!tpu.dma_semaphore, #tpu.memory_space<semaphore_mem>>) src(%dma_wait3A_26 : memref<1000000x32xf32, #tpu.memory_space<hbm>>) dst(%arg7 : memref<1600x32xf32, #tpu.memory_space<vmem>>)
    %add3A_27 = arith.constant 1600 : i32
    %add3A_28 = arith.addi %mul3A_2, %add3A_27 : i32
    %dma_start3A_29 = arith.constant 0 : i32
    %dma_start3A_30 = tpu.memref_slice %arg4[%add3A_28, %dma_start3A_29] : memref<819200x128xf32, #tpu.memory_space<hbm>> -> memref<1600x32xf32, #tpu.memory_space<hbm>>
    %dma_start3A_31 = arith.constant 0 : i32
    %dma_start3A_32 = tpu.memref_slice %arg4[%add3A_28, %dma_start3A_31] : memref<819200x128xf32, #tpu.memory_space<hbm>> -> memref<1600x32xf32, #tpu.memory_space<hbm>>
    tpu.enqueue_dma source(%arg7 : memref<1600x32xf32, #tpu.memory_space<vmem>>) target(%dma_start3A_32 : memref<1600x32xf32, #tpu.memory_space<hbm>>) target_semaphore(%arg11 : memref<!tpu.dma_semaphore, #tpu.memory_space<semaphore_mem>>)
    %add3A_33 = arith.constant 3200 : i32
    %add3A_34 = arith.addi %mul3A_2, %add3A_33 : i32
    %dma_wait3A_35 = arith.constant 0 : i32
    %dma_wait3A_36 = tpu.memref_slice %arg4[%add3A_34, %dma_wait3A_35] : memref<819200x128xf32, #tpu.memory_space<hbm>> -> memref<1600x32xf32, #tpu.memory_space<hbm>>
    %dma_wait3A_37 = arith.constant 0 : i32
    %dma_wait3A_38 = tpu.memref_slice %arg4[%add3A_34, %dma_wait3A_37] : memref<819200x128xf32, #tpu.memory_space<hbm>> -> memref<1600x32xf32, #tpu.memory_space<hbm>>
    tpu.wait_dma2 semaphore(%arg10 : memref<!tpu.dma_semaphore, #tpu.memory_space<semaphore_mem>>) src(%arg6 : memref<1600x32xf32, #tpu.memory_space<vmem>>) dst(%dma_wait3A_38 : memref<1600x32xf32, #tpu.memory_space<hbm>>)
    %dma_start3A_39 = arith.constant 3200 : i32
    %dma_start3A_40 = tpu.memref_slice %arg5[%dma_start3A_39] : memref<25600xi32, #tpu.memory_space<vmem>> -> memref<1600xi32, #tpu.memory_space<vmem>>
    %dma_start3A_41 = arith.constant 0 : i32
    %dma_start3A_42 = arith.constant 0 : i32
    %dma_start3A_43 = tpu.memref_slice %arg2[%dma_start3A_41, %dma_start3A_42] : memref<1000000x32xf32, #tpu.memory_space<hbm>> -> memref<1000000x32xf32, #tpu.memory_space<hbm>>
    tpu.enqueue_indirect_dma source(%dma_start3A_43 : memref<1000000x32xf32, #tpu.memory_space<hbm>>) target(%arg6 : memref<1600x32xf32, #tpu.memory_space<vmem>>) offsets(%dma_start3A_40 : memref<1600xi32, #tpu.memory_space<vmem>>) semaphore(%arg8 : memref<!tpu.dma_semaphore, #tpu.memory_space<semaphore_mem>>)
    %dma_wait3A_44 = arith.constant 3200 : i32
    %dma_wait3A_45 = tpu.memref_slice %arg5[%dma_wait3A_44] : memref<25600xi32, #tpu.memory_space<vmem>> -> memref<1600xi32, #tpu.memory_space<vmem>>
    %dma_wait3A_46 = arith.constant 0 : i32
    %dma_wait3A_47 = arith.constant 0 : i32
    %dma_wait3A_48 = tpu.memref_slice %arg2[%dma_wait3A_46, %dma_wait3A_47] : memref<1000000x32xf32, #tpu.memory_space<hbm>> -> memref<1000000x32xf32, #tpu.memory_space<hbm>>
    tpu.wait_indirect_dma semaphore(%arg8 : memref<!tpu.dma_semaphore, #tpu.memory_space<semaphore_mem>>) src(%dma_wait3A_48 : memref<1000000x32xf32, #tpu.memory_space<hbm>>) dst(%arg6 : memref<1600x32xf32, #tpu.memory_space<vmem>>)
    %add3A_49 = arith.constant 3200 : i32
    %add3A_50 = arith.addi %mul3A_2, %add3A_49 : i32
    %dma_start3A_51 = arith.constant 0 : i32
    %dma_start3A_52 = tpu.memref_slice %arg4[%add3A_50, %dma_start3A_51] : memref<819200x128xf32, #tpu.memory_space<hbm>> -> memref<1600x32xf32, #tpu.memory_space<hbm>>
    %dma_start3A_53 = arith.constant 0 : i32
    %dma_start3A_54 = tpu.memref_slice %arg4[%add3A_50, %dma_start3A_53] : memref<819200x128xf32, #tpu.memory_space<hbm>> -> memref<1600x32xf32, #tpu.memory_space<hbm>>
    tpu.enqueue_dma source(%arg6 : memref<1600x32xf32, #tpu.memory_space<vmem>>) target(%dma_start3A_54 : memref<1600x32xf32, #tpu.memory_space<hbm>>) target_semaphore(%arg10 : memref<!tpu.dma_semaphore, #tpu.memory_space<semaphore_mem>>)
    %add3A_55 = arith.constant 4800 : i32
    %add3A_56 = arith.addi %mul3A_2, %add3A_55 : i32
    %dma_wait3A_57 = arith.constant 0 : i32
    %dma_wait3A_58 = tpu.memref_slice %arg4[%add3A_56, %dma_wait3A_57] : memref<819200x128xf32, #tpu.memory_space<hbm>> -> memref<1600x32xf32, #tpu.memory_space<hbm>>
    %dma_wait3A_59 = arith.constant 0 : i32
    %dma_wait3A_60 = tpu.memref_slice %arg4[%add3A_56, %dma_wait3A_59] : memref<819200x128xf32, #tpu.memory_space<hbm>> -> memref<1600x32xf32, #tpu.memory_space<hbm>>
    tpu.wait_dma2 semaphore(%arg11 : memref<!tpu.dma_semaphore, #tpu.memory_space<semaphore_mem>>) src(%arg7 : memref<1600x32xf32, #tpu.memory_space<vmem>>) dst(%dma_wait3A_60 : memref<1600x32xf32, #tpu.memory_space<hbm>>)
    %dma_start3A_61 = arith.constant 4800 : i32
    %dma_start3A_62 = tpu.memref_slice %arg5[%dma_start3A_61] : memref<25600xi32, #tpu.memory_space<vmem>> -> memref<1600xi32, #tpu.memory_space<vmem>>
    %dma_start3A_63 = arith.constant 0 : i32
    %dma_start3A_64 = arith.constant 0 : i32
    %dma_start3A_65 = tpu.memref_slice %arg2[%dma_start3A_63, %dma_start3A_64] : memref<1000000x32xf32, #tpu.memory_space<hbm>> -> memref<1000000x32xf32, #tpu.memory_space<hbm>>
    tpu.enqueue_indirect_dma source(%dma_start3A_65 : memref<1000000x32xf32, #tpu.memory_space<hbm>>) target(%arg7 : memref<1600x32xf32, #tpu.memory_space<vmem>>) offsets(%dma_start3A_62 : memref<1600xi32, #tpu.memory_space<vmem>>) semaphore(%arg9 : memref<!tpu.dma_semaphore, #tpu.memory_space<semaphore_mem>>)
    %dma_wait3A_66 = arith.constant 4800 : i32
    %dma_wait3A_67 = tpu.memref_slice %arg5[%dma_wait3A_66] : memref<25600xi32, #tpu.memory_space<vmem>> -> memref<1600xi32, #tpu.memory_space<vmem>>
    %dma_wait3A_68 = arith.constant 0 : i32
    %dma_wait3A_69 = arith.constant 0 : i32
    %dma_wait3A_70 = tpu.memref_slice %arg2[%dma_wait3A_68, %dma_wait3A_69] : memref<1000000x32xf32, #tpu.memory_space<hbm>> -> memref<1000000x32xf32, #tpu.memory_space<hbm>>
    tpu.wait_indirect_dma semaphore(%arg9 : memref<!tpu.dma_semaphore, #tpu.memory_space<semaphore_mem>>) src(%dma_wait3A_70 : memref<1000000x32xf32, #tpu.memory_space<hbm>>) dst(%arg7 : memref<1600x32xf32, #tpu.memory_space<vmem>>)
    %add3A_71 = arith.constant 4800 : i32
    %add3A_72 = arith.addi %mul3A_2, %add3A_71 : i32
    %dma_start3A_73 = arith.constant 0 : i32
    %dma_start3A_74 = tpu.memref_slice %arg4[%add3A_72, %dma_start3A_73] : memref<819200x128xf32, #tpu.memory_space<hbm>> -> memref<1600x32xf32, #tpu.memory_space<hbm>>
    %dma_start3A_75 = arith.constant 0 : i32
    %dma_start3A_76 = tpu.memref_slice %arg4[%add3A_72, %dma_start3A_75] : memref<819200x128xf32, #tpu.memory_space<hbm>> -> memref<1600x32xf32, #tpu.memory_space<hbm>>
    tpu.enqueue_dma source(%arg7 : memref<1600x32xf32, #tpu.memory_space<vmem>>) target(%dma_start3A_76 : memref<1600x32xf32, #tpu.memory_space<hbm>>) target_semaphore(%arg11 : memref<!tpu.dma_semaphore, #tpu.memory_space<semaphore_mem>>)
    %add3A_77 = arith.constant 6400 : i32
    %add3A_78 = arith.addi %mul3A_2, %add3A_77 : i32
    %dma_wait3A_79 = arith.constant 0 : i32
    %dma_wait3A_80 = tpu.memref_slice %arg4[%add3A_78, %dma_wait3A_79] : memref<819200x128xf32, #tpu.memory_space<hbm>> -> memref<1600x32xf32, #tpu.memory_space<hbm>>
    %dma_wait3A_81 = arith.constant 0 : i32
    %dma_wait3A_82 = tpu.memref_slice %arg4[%add3A_78, %dma_wait3A_81] : memref<819200x128xf32, #tpu.memory_space<hbm>> -> memref<1600x32xf32, #tpu.memory_space<hbm>>
    tpu.wait_dma2 semaphore(%arg10 : memref<!tpu.dma_semaphore, #tpu.memory_space<semaphore_mem>>) src(%arg6 : memref<1600x32xf32, #tpu.memory_space<vmem>>) dst(%dma_wait3A_82 : memref<1600x32xf32, #tpu.memory_space<hbm>>)
    %dma_start3A_83 = arith.constant 6400 : i32
    %dma_start3A_84 = tpu.memref_slice %arg5[%dma_start3A_83] : memref<25600xi32, #tpu.memory_space<vmem>> -> memref<1600xi32, #tpu.memory_space<vmem>>
    %dma_start3A_85 = arith.constant 0 : i32
    %dma_start3A_86 = arith.constant 0 : i32
    %dma_start3A_87 = tpu.memref_slice %arg2[%dma_start3A_85, %dma_start3A_86] : memref<1000000x32xf32, #tpu.memory_space<hbm>> -> memref<1000000x32xf32, #tpu.memory_space<hbm>>
    tpu.enqueue_indirect_dma source(%dma_start3A_87 : memref<1000000x32xf32, #tpu.memory_space<hbm>>) target(%arg6 : memref<1600x32xf32, #tpu.memory_space<vmem>>) offsets(%dma_start3A_84 : memref<1600xi32, #tpu.memory_space<vmem>>) semaphore(%arg8 : memref<!tpu.dma_semaphore, #tpu.memory_space<semaphore_mem>>)
    %dma_wait3A_88 = arith.constant 6400 : i32
    %dma_wait3A_89 = tpu.memref_slice %arg5[%dma_wait3A_88] : memref<25600xi32, #tpu.memory_space<vmem>> -> memref<1600xi32, #tpu.memory_space<vmem>>
    %dma_wait3A_90 = arith.constant 0 : i32
    %dma_wait3A_91 = arith.constant 0 : i32
    %dma_wait3A_92 = tpu.memref_slice %arg2[%dma_wait3A_90, %dma_wait3A_91] : memref<1000000x32xf32, #tpu.memory_space<hbm>> -> memref<1000000x32xf32, #tpu.memory_space<hbm>>
    tpu.wait_indirect_dma semaphore(%arg8 : memref<!tpu.dma_semaphore, #tpu.memory_space<semaphore_mem>>) src(%dma_wait3A_92 : memref<1000000x32xf32, #tpu.memory_space<hbm>>) dst(%arg6 : memref<1600x32xf32, #tpu.memory_space<vmem>>)
    %add3A_93 = arith.constant 6400 : i32
    %add3A_94 = arith.addi %mul3A_2, %add3A_93 : i32
    %dma_start3A_95 = arith.constant 0 : i32
    %dma_start3A_96 = tpu.memref_slice %arg4[%add3A_94, %dma_start3A_95] : memref<819200x128xf32, #tpu.memory_space<hbm>> -> memref<1600x32xf32, #tpu.memory_space<hbm>>
    %dma_start3A_97 = arith.constant 0 : i32
    %dma_start3A_98 = tpu.memref_slice %arg4[%add3A_94, %dma_start3A_97] : memref<819200x128xf32, #tpu.memory_space<hbm>> -> memref<1600x32xf32, #tpu.memory_space<hbm>>
    tpu.enqueue_dma source(%arg6 : memref<1600x32xf32, #tpu.memory_space<vmem>>) target(%dma_start3A_98 : memref<1600x32xf32, #tpu.memory_space<hbm>>) target_semaphore(%arg10 : memref<!tpu.dma_semaphore, #tpu.memory_space<semaphore_mem>>)
    %add3A_99 = arith.constant 8000 : i32
    %add3A_100 = arith.addi %mul3A_2, %add3A_99 : i32
    %dma_wait3A_101 = arith.constant 0 : i32
    %dma_wait3A_102 = tpu.memref_slice %arg4[%add3A_100, %dma_wait3A_101] : memref<819200x128xf32, #tpu.memory_space<hbm>> -> memref<1600x32xf32, #tpu.memory_space<hbm>>
    %dma_wait3A_103 = arith.constant 0 : i32
    %dma_wait3A_104 = tpu.memref_slice %arg4[%add3A_100, %dma_wait3A_103] : memref<819200x128xf32, #tpu.memory_space<hbm>> -> memref<1600x32xf32, #tpu.memory_space<hbm>>
    tpu.wait_dma2 semaphore(%arg11 : memref<!tpu.dma_semaphore, #tpu.memory_space<semaphore_mem>>) src(%arg7 : memref<1600x32xf32, #tpu.memory_space<vmem>>) dst(%dma_wait3A_104 : memref<1600x32xf32, #tpu.memory_space<hbm>>)
    %dma_start3A_105 = arith.constant 8000 : i32
    %dma_start3A_106 = tpu.memref_slice %arg5[%dma_start3A_105] : memref<25600xi32, #tpu.memory_space<vmem>> -> memref<1600xi32, #tpu.memory_space<vmem>>
    %dma_start3A_107 = arith.constant 0 : i32
    %dma_start3A_108 = arith.constant 0 : i32
    %dma_start3A_109 = tpu.memref_slice %arg2[%dma_start3A_107, %dma_start3A_108] : memref<1000000x32xf32, #tpu.memory_space<hbm>> -> memref<1000000x32xf32, #tpu.memory_space<hbm>>
    tpu.enqueue_indirect_dma source(%dma_start3A_109 : memref<1000000x32xf32, #tpu.memory_space<hbm>>) target(%arg7 : memref<1600x32xf32, #tpu.memory_space<vmem>>) offsets(%dma_start3A_106 : memref<1600xi32, #tpu.memory_space<vmem>>) semaphore(%arg9 : memref<!tpu.dma_semaphore, #tpu.memory_space<semaphore_mem>>)
    %dma_wait3A_110 = arith.constant 8000 : i32
    %dma_wait3A_111 = tpu.memref_slice %arg5[%dma_wait3A_110] : memref<25600xi32, #tpu.memory_space<vmem>> -> memref<1600xi32, #tpu.memory_space<vmem>>
    %dma_wait3A_112 = arith.constant 0 : i32
    %dma_wait3A_113 = arith.constant 0 : i32
    %dma_wait3A_114 = tpu.memref_slice %arg2[%dma_wait3A_112, %dma_wait3A_113] : memref<1000000x32xf32, #tpu.memory_space<hbm>> -> memref<1000000x32xf32, #tpu.memory_space<hbm>>
    tpu.wait_indirect_dma semaphore(%arg9 : memref<!tpu.dma_semaphore, #tpu.memory_space<semaphore_mem>>) src(%dma_wait3A_114 : memref<1000000x32xf32, #tpu.memory_space<hbm>>) dst(%arg7 : memref<1600x32xf32, #tpu.memory_space<vmem>>)
    %add3A_115 = arith.constant 8000 : i32
    %add3A_116 = arith.addi %mul3A_2, %add3A_115 : i32
    %dma_start3A_117 = arith.constant 0 : i32
    %dma_start3A_118 = tpu.memref_slice %arg4[%add3A_116, %dma_start3A_117] : memref<819200x128xf32, #tpu.memory_space<hbm>> -> memref<1600x32xf32, #tpu.memory_space<hbm>>
    %dma_start3A_119 = arith.constant 0 : i32
    %dma_start3A_120 = tpu.memref_slice %arg4[%add3A_116, %dma_start3A_119] : memref<819200x128xf32, #tpu.memory_space<hbm>> -> memref<1600x32xf32, #tpu.memory_space<hbm>>
    tpu.enqueue_dma source(%arg7 : memref<1600x32xf32, #tpu.memory_space<vmem>>) target(%dma_start3A_120 : memref<1600x32xf32, #tpu.memory_space<hbm>>) target_semaphore(%arg11 : memref<!tpu.dma_semaphore, #tpu.memory_space<semaphore_mem>>)
    %add3A_121 = arith.constant 9600 : i32
    %add3A_122 = arith.addi %mul3A_2, %add3A_121 : i32
    %dma_wait3A_123 = arith.constant 0 : i32
    %dma_wait3A_124 = tpu.memref_slice %arg4[%add3A_122, %dma_wait3A_123] : memref<819200x128xf32, #tpu.memory_space<hbm>> -> memref<1600x32xf32, #tpu.memory_space<hbm>>
    %dma_wait3A_125 = arith.constant 0 : i32
    %dma_wait3A_126 = tpu.memref_slice %arg4[%add3A_122, %dma_wait3A_125] : memref<819200x128xf32, #tpu.memory_space<hbm>> -> memref<1600x32xf32, #tpu.memory_space<hbm>>
    tpu.wait_dma2 semaphore(%arg10 : memref<!tpu.dma_semaphore, #tpu.memory_space<semaphore_mem>>) src(%arg6 : memref<1600x32xf32, #tpu.memory_space<vmem>>) dst(%dma_wait3A_126 : memref<1600x32xf32, #tpu.memory_space<hbm>>)
    %dma_start3A_127 = arith.constant 9600 : i32
    %dma_start3A_128 = tpu.memref_slice %arg5[%dma_start3A_127] : memref<25600xi32, #tpu.memory_space<vmem>> -> memref<1600xi32, #tpu.memory_space<vmem>>
    %dma_start3A_129 = arith.constant 0 : i32
    %dma_start3A_130 = arith.constant 0 : i32
    %dma_start3A_131 = tpu.memref_slice %arg2[%dma_start3A_129, %dma_start3A_130] : memref<1000000x32xf32, #tpu.memory_space<hbm>> -> memref<1000000x32xf32, #tpu.memory_space<hbm>>
    tpu.enqueue_indirect_dma source(%dma_start3A_131 : memref<1000000x32xf32, #tpu.memory_space<hbm>>) target(%arg6 : memref<1600x32xf32, #tpu.memory_space<vmem>>) offsets(%dma_start3A_128 : memref<1600xi32, #tpu.memory_space<vmem>>) semaphore(%arg8 : memref<!tpu.dma_semaphore, #tpu.memory_space<semaphore_mem>>)
    %dma_wait3A_132 = arith.constant 9600 : i32
    %dma_wait3A_133 = tpu.memref_slice %arg5[%dma_wait3A_132] : memref<25600xi32, #tpu.memory_space<vmem>> -> memref<1600xi32, #tpu.memory_space<vmem>>
    %dma_wait3A_134 = arith.constant 0 : i32
    %dma_wait3A_135 = arith.constant 0 : i32
    %dma_wait3A_136 = tpu.memref_slice %arg2[%dma_wait3A_134, %dma_wait3A_135] : memref<1000000x32xf32, #tpu.memory_space<hbm>> -> memref<1000000x32xf32, #tpu.memory_space<hbm>>
    tpu.wait_indirect_dma semaphore(%arg8 : memref<!tpu.dma_semaphore, #tpu.memory_space<semaphore_mem>>) src(%dma_wait3A_136 : memref<1000000x32xf32, #tpu.memory_space<hbm>>) dst(%arg6 : memref<1600x32xf32, #tpu.memory_space<vmem>>)
    %add3A_137 = arith.constant 9600 : i32
    %add3A_138 = arith.addi %mul3A_2, %add3A_137 : i32
    %dma_start3A_139 = arith.constant 0 : i32
    %dma_start3A_140 = tpu.memref_slice %arg4[%add3A_138, %dma_start3A_139] : memref<819200x128xf32, #tpu.memory_space<hbm>> -> memref<1600x32xf32, #tpu.memory_space<hbm>>
    %dma_start3A_141 = arith.constant 0 : i32
    %dma_start3A_142 = tpu.memref_slice %arg4[%add3A_138, %dma_start3A_141] : memref<819200x128xf32, #tpu.memory_space<hbm>> -> memref<1600x32xf32, #tpu.memory_space<hbm>>
    tpu.enqueue_dma source(%arg6 : memref<1600x32xf32, #tpu.memory_space<vmem>>) target(%dma_start3A_142 : memref<1600x32xf32, #tpu.memory_space<hbm>>) target_semaphore(%arg10 : memref<!tpu.dma_semaphore, #tpu.memory_space<semaphore_mem>>)
    %add3A_143 = arith.constant 11200 : i32
    %add3A_144 = arith.addi %mul3A_2, %add3A_143 : i32
    %dma_wait3A_145 = arith.constant 0 : i32
    %dma_wait3A_146 = tpu.memref_slice %arg4[%add3A_144, %dma_wait3A_145] : memref<819200x128xf32, #tpu.memory_space<hbm>> -> memref<1600x32xf32, #tpu.memory_space<hbm>>
    %dma_wait3A_147 = arith.constant 0 : i32
    %dma_wait3A_148 = tpu.memref_slice %arg4[%add3A_144, %dma_wait3A_147] : memref<819200x128xf32, #tpu.memory_space<hbm>> -> memref<1600x32xf32, #tpu.memory_space<hbm>>
    tpu.wait_dma2 semaphore(%arg11 : memref<!tpu.dma_semaphore, #tpu.memory_space<semaphore_mem>>) src(%arg7 : memref<1600x32xf32, #tpu.memory_space<vmem>>) dst(%dma_wait3A_148 : memref<1600x32xf32, #tpu.memory_space<hbm>>)
    %dma_start3A_149 = arith.constant 11200 : i32
    %dma_start3A_150 = tpu.memref_slice %arg5[%dma_start3A_149] : memref<25600xi32, #tpu.memory_space<vmem>> -> memref<1600xi32, #tpu.memory_space<vmem>>
    %dma_start3A_151 = arith.constant 0 : i32
    %dma_start3A_152 = arith.constant 0 : i32
    %dma_start3A_153 = tpu.memref_slice %arg2[%dma_start3A_151, %dma_start3A_152] : memref<1000000x32xf32, #tpu.memory_space<hbm>> -> memref<1000000x32xf32, #tpu.memory_space<hbm>>
    tpu.enqueue_indirect_dma source(%dma_start3A_153 : memref<1000000x32xf32, #tpu.memory_space<hbm>>) target(%arg7 : memref<1600x32xf32, #tpu.memory_space<vmem>>) offsets(%dma_start3A_150 : memref<1600xi32, #tpu.memory_space<vmem>>) semaphore(%arg9 : memref<!tpu.dma_semaphore, #tpu.memory_space<semaphore_mem>>)
    %dma_wait3A_154 = arith.constant 11200 : i32
    %dma_wait3A_155 = tpu.memref_slice %arg5[%dma_wait3A_154] : memref<25600xi32, #tpu.memory_space<vmem>> -> memref<1600xi32, #tpu.memory_space<vmem>>
    %dma_wait3A_156 = arith.constant 0 : i32
    %dma_wait3A_157 = arith.constant 0 : i32
    %dma_wait3A_158 = tpu.memref_slice %arg2[%dma_wait3A_156, %dma_wait3A_157] : memref<1000000x32xf32, #tpu.memory_space<hbm>> -> memref<1000000x32xf32, #tpu.memory_space<hbm>>
    tpu.wait_indirect_dma semaphore(%arg9 : memref<!tpu.dma_semaphore, #tpu.memory_space<semaphore_mem>>) src(%dma_wait3A_158 : memref<1000000x32xf32, #tpu.memory_space<hbm>>) dst(%arg7 : memref<1600x32xf32, #tpu.memory_space<vmem>>)
    %add3A_159 = arith.constant 11200 : i32
    %add3A_160 = arith.addi %mul3A_2, %add3A_159 : i32
    %dma_start3A_161 = arith.constant 0 : i32
    %dma_start3A_162 = tpu.memref_slice %arg4[%add3A_160, %dma_start3A_161] : memref<819200x128xf32, #tpu.memory_space<hbm>> -> memref<1600x32xf32, #tpu.memory_space<hbm>>
    %dma_start3A_163 = arith.constant 0 : i32
    %dma_start3A_164 = tpu.memref_slice %arg4[%add3A_160, %dma_start3A_163] : memref<819200x128xf32, #tpu.memory_space<hbm>> -> memref<1600x32xf32, #tpu.memory_space<hbm>>
    tpu.enqueue_dma source(%arg7 : memref<1600x32xf32, #tpu.memory_space<vmem>>) target(%dma_start3A_164 : memref<1600x32xf32, #tpu.memory_space<hbm>>) target_semaphore(%arg11 : memref<!tpu.dma_semaphore, #tpu.memory_space<semaphore_mem>>)
    %add3A_165 = arith.constant 12800 : i32
    %add3A_166 = arith.addi %mul3A_2, %add3A_165 : i32
    %dma_wait3A_167 = arith.constant 0 : i32
    %dma_wait3A_168 = tpu.memref_slice %arg4[%add3A_166, %dma_wait3A_167] : memref<819200x128xf32, #tpu.memory_space<hbm>> -> memref<1600x32xf32, #tpu.memory_space<hbm>>
    %dma_wait3A_169 = arith.constant 0 : i32
    %dma_wait3A_170 = tpu.memref_slice %arg4[%add3A_166, %dma_wait3A_169] : memref<819200x128xf32, #tpu.memory_space<hbm>> -> memref<1600x32xf32, #tpu.memory_space<hbm>>
    tpu.wait_dma2 semaphore(%arg10 : memref<!tpu.dma_semaphore, #tpu.memory_space<semaphore_mem>>) src(%arg6 : memref<1600x32xf32, #tpu.memory_space<vmem>>) dst(%dma_wait3A_170 : memref<1600x32xf32, #tpu.memory_space<hbm>>)
    %dma_start3A_171 = arith.constant 12800 : i32
    %dma_start3A_172 = tpu.memref_slice %arg5[%dma_start3A_171] : memref<25600xi32, #tpu.memory_space<vmem>> -> memref<1600xi32, #tpu.memory_space<vmem>>
    %dma_start3A_173 = arith.constant 0 : i32
    %dma_start3A_174 = arith.constant 0 : i32
    %dma_start3A_175 = tpu.memref_slice %arg2[%dma_start3A_173, %dma_start3A_174] : memref<1000000x32xf32, #tpu.memory_space<hbm>> -> memref<1000000x32xf32, #tpu.memory_space<hbm>>
    tpu.enqueue_indirect_dma source(%dma_start3A_175 : memref<1000000x32xf32, #tpu.memory_space<hbm>>) target(%arg6 : memref<1600x32xf32, #tpu.memory_space<vmem>>) offsets(%dma_start3A_172 : memref<1600xi32, #tpu.memory_space<vmem>>) semaphore(%arg8 : memref<!tpu.dma_semaphore, #tpu.memory_space<semaphore_mem>>)
    %dma_wait3A_176 = arith.constant 12800 : i32
    %dma_wait3A_177 = tpu.memref_slice %arg5[%dma_wait3A_176] : memref<25600xi32, #tpu.memory_space<vmem>> -> memref<1600xi32, #tpu.memory_space<vmem>>
    %dma_wait3A_178 = arith.constant 0 : i32
    %dma_wait3A_179 = arith.constant 0 : i32
    %dma_wait3A_180 = tpu.memref_slice %arg2[%dma_wait3A_178, %dma_wait3A_179] : memref<1000000x32xf32, #tpu.memory_space<hbm>> -> memref<1000000x32xf32, #tpu.memory_space<hbm>>
    tpu.wait_indirect_dma semaphore(%arg8 : memref<!tpu.dma_semaphore, #tpu.memory_space<semaphore_mem>>) src(%dma_wait3A_180 : memref<1000000x32xf32, #tpu.memory_space<hbm>>) dst(%arg6 : memref<1600x32xf32, #tpu.memory_space<vmem>>)
    %add3A_181 = arith.constant 12800 : i32
    %add3A_182 = arith.addi %mul3A_2, %add3A_181 : i32
    %dma_start3A_183 = arith.constant 0 : i32
    %dma_start3A_184 = tpu.memref_slice %arg4[%add3A_182, %dma_start3A_183] : memref<819200x128xf32, #tpu.memory_space<hbm>> -> memref<1600x32xf32, #tpu.memory_space<hbm>>
    %dma_start3A_185 = arith.constant 0 : i32
    %dma_start3A_186 = tpu.memref_slice %arg4[%add3A_182, %dma_start3A_185] : memref<819200x128xf32, #tpu.memory_space<hbm>> -> memref<1600x32xf32, #tpu.memory_space<hbm>>
    tpu.enqueue_dma source(%arg6 : memref<1600x32xf32, #tpu.memory_space<vmem>>) target(%dma_start3A_186 : memref<1600x32xf32, #tpu.memory_space<hbm>>) target_semaphore(%arg10 : memref<!tpu.dma_semaphore, #tpu.memory_space<semaphore_mem>>)
    %add3A_187 = arith.constant 14400 : i32
    %add3A_188 = arith.addi %mul3A_2, %add3A_187 : i32
    %dma_wait3A_189 = arith.constant 0 : i32
    %dma_wait3A_190 = tpu.memref_slice %arg4[%add3A_188, %dma_wait3A_189] : memref<819200x128xf32, #tpu.memory_space<hbm>> -> memref<1600x32xf32, #tpu.memory_space<hbm>>
    %dma_wait3A_191 = arith.constant 0 : i32
    %dma_wait3A_192 = tpu.memref_slice %arg4[%add3A_188, %dma_wait3A_191] : memref<819200x128xf32, #tpu.memory_space<hbm>> -> memref<1600x32xf32, #tpu.memory_space<hbm>>
    tpu.wait_dma2 semaphore(%arg11 : memref<!tpu.dma_semaphore, #tpu.memory_space<semaphore_mem>>) src(%arg7 : memref<1600x32xf32, #tpu.memory_space<vmem>>) dst(%dma_wait3A_192 : memref<1600x32xf32, #tpu.memory_space<hbm>>)
    %dma_start3A_193 = arith.constant 14400 : i32
    %dma_start3A_194 = tpu.memref_slice %arg5[%dma_start3A_193] : memref<25600xi32, #tpu.memory_space<vmem>> -> memref<1600xi32, #tpu.memory_space<vmem>>
    %dma_start3A_195 = arith.constant 0 : i32
    %dma_start3A_196 = arith.constant 0 : i32
    %dma_start3A_197 = tpu.memref_slice %arg2[%dma_start3A_195, %dma_start3A_196] : memref<1000000x32xf32, #tpu.memory_space<hbm>> -> memref<1000000x32xf32, #tpu.memory_space<hbm>>
    tpu.enqueue_indirect_dma source(%dma_start3A_197 : memref<1000000x32xf32, #tpu.memory_space<hbm>>) target(%arg7 : memref<1600x32xf32, #tpu.memory_space<vmem>>) offsets(%dma_start3A_194 : memref<1600xi32, #tpu.memory_space<vmem>>) semaphore(%arg9 : memref<!tpu.dma_semaphore, #tpu.memory_space<semaphore_mem>>)
    %dma_wait3A_198 = arith.constant 14400 : i32
    %dma_wait3A_199 = tpu.memref_slice %arg5[%dma_wait3A_198] : memref<25600xi32, #tpu.memory_space<vmem>> -> memref<1600xi32, #tpu.memory_space<vmem>>
    %dma_wait3A_200 = arith.constant 0 : i32
    %dma_wait3A_201 = arith.constant 0 : i32
    %dma_wait3A_202 = tpu.memref_slice %arg2[%dma_wait3A_200, %dma_wait3A_201] : memref<1000000x32xf32, #tpu.memory_space<hbm>> -> memref<1000000x32xf32, #tpu.memory_space<hbm>>
    tpu.wait_indirect_dma semaphore(%arg9 : memref<!tpu.dma_semaphore, #tpu.memory_space<semaphore_mem>>) src(%dma_wait3A_202 : memref<1000000x32xf32, #tpu.memory_space<hbm>>) dst(%arg7 : memref<1600x32xf32, #tpu.memory_space<vmem>>)
    %add3A_203 = arith.constant 14400 : i32
    %add3A_204 = arith.addi %mul3A_2, %add3A_203 : i32
    %dma_start3A_205 = arith.constant 0 : i32
    %dma_start3A_206 = tpu.memref_slice %arg4[%add3A_204, %dma_start3A_205] : memref<819200x128xf32, #tpu.memory_space<hbm>> -> memref<1600x32xf32, #tpu.memory_space<hbm>>
    %dma_start3A_207 = arith.constant 0 : i32
    %dma_start3A_208 = tpu.memref_slice %arg4[%add3A_204, %dma_start3A_207] : memref<819200x128xf32, #tpu.memory_space<hbm>> -> memref<1600x32xf32, #tpu.memory_space<hbm>>
    tpu.enqueue_dma source(%arg7 : memref<1600x32xf32, #tpu.memory_space<vmem>>) target(%dma_start3A_208 : memref<1600x32xf32, #tpu.memory_space<hbm>>) target_semaphore(%arg11 : memref<!tpu.dma_semaphore, #tpu.memory_space<semaphore_mem>>)
    %add3A_209 = arith.constant 16000 : i32
    %add3A_210 = arith.addi %mul3A_2, %add3A_209 : i32
    %dma_wait3A_211 = arith.constant 0 : i32
    %dma_wait3A_212 = tpu.memref_slice %arg4[%add3A_210, %dma_wait3A_211] : memref<819200x128xf32, #tpu.memory_space<hbm>> -> memref<1600x32xf32, #tpu.memory_space<hbm>>
    %dma_wait3A_213 = arith.constant 0 : i32
    %dma_wait3A_214 = tpu.memref_slice %arg4[%add3A_210, %dma_wait3A_213] : memref<819200x128xf32, #tpu.memory_space<hbm>> -> memref<1600x32xf32, #tpu.memory_space<hbm>>
    tpu.wait_dma2 semaphore(%arg10 : memref<!tpu.dma_semaphore, #tpu.memory_space<semaphore_mem>>) src(%arg6 : memref<1600x32xf32, #tpu.memory_space<vmem>>) dst(%dma_wait3A_214 : memref<1600x32xf32, #tpu.memory_space<hbm>>)
    %dma_start3A_215 = arith.constant 16000 : i32
    %dma_start3A_216 = tpu.memref_slice %arg5[%dma_start3A_215] : memref<25600xi32, #tpu.memory_space<vmem>> -> memref<1600xi32, #tpu.memory_space<vmem>>
    %dma_start3A_217 = arith.constant 0 : i32
    %dma_start3A_218 = arith.constant 0 : i32
    %dma_start3A_219 = tpu.memref_slice %arg2[%dma_start3A_217, %dma_start3A_218] : memref<1000000x32xf32, #tpu.memory_space<hbm>> -> memref<1000000x32xf32, #tpu.memory_space<hbm>>
    tpu.enqueue_indirect_dma source(%dma_start3A_219 : memref<1000000x32xf32, #tpu.memory_space<hbm>>) target(%arg6 : memref<1600x32xf32, #tpu.memory_space<vmem>>) offsets(%dma_start3A_216 : memref<1600xi32, #tpu.memory_space<vmem>>) semaphore(%arg8 : memref<!tpu.dma_semaphore, #tpu.memory_space<semaphore_mem>>)
    %dma_wait3A_220 = arith.constant 16000 : i32
    %dma_wait3A_221 = tpu.memref_slice %arg5[%dma_wait3A_220] : memref<25600xi32, #tpu.memory_space<vmem>> -> memref<1600xi32, #tpu.memory_space<vmem>>
    %dma_wait3A_222 = arith.constant 0 : i32
    %dma_wait3A_223 = arith.constant 0 : i32
    %dma_wait3A_224 = tpu.memref_slice %arg2[%dma_wait3A_222, %dma_wait3A_223] : memref<1000000x32xf32, #tpu.memory_space<hbm>> -> memref<1000000x32xf32, #tpu.memory_space<hbm>>
    tpu.wait_indirect_dma semaphore(%arg8 : memref<!tpu.dma_semaphore, #tpu.memory_space<semaphore_mem>>) src(%dma_wait3A_224 : memref<1000000x32xf32, #tpu.memory_space<hbm>>) dst(%arg6 : memref<1600x32xf32, #tpu.memory_space<vmem>>)
    %add3A_225 = arith.constant 16000 : i32
    %add3A_226 = arith.addi %mul3A_2, %add3A_225 : i32
    %dma_start3A_227 = arith.constant 0 : i32
    %dma_start3A_228 = tpu.memref_slice %arg4[%add3A_226, %dma_start3A_227] : memref<819200x128xf32, #tpu.memory_space<hbm>> -> memref<1600x32xf32, #tpu.memory_space<hbm>>
    %dma_start3A_229 = arith.constant 0 : i32
    %dma_start3A_230 = tpu.memref_slice %arg4[%add3A_226, %dma_start3A_229] : memref<819200x128xf32, #tpu.memory_space<hbm>> -> memref<1600x32xf32, #tpu.memory_space<hbm>>
    tpu.enqueue_dma source(%arg6 : memref<1600x32xf32, #tpu.memory_space<vmem>>) target(%dma_start3A_230 : memref<1600x32xf32, #tpu.memory_space<hbm>>) target_semaphore(%arg10 : memref<!tpu.dma_semaphore, #tpu.memory_space<semaphore_mem>>)
    %add3A_231 = arith.constant 17600 : i32
    %add3A_232 = arith.addi %mul3A_2, %add3A_231 : i32
    %dma_wait3A_233 = arith.constant 0 : i32
    %dma_wait3A_234 = tpu.memref_slice %arg4[%add3A_232, %dma_wait3A_233] : memref<819200x128xf32, #tpu.memory_space<hbm>> -> memref<1600x32xf32, #tpu.memory_space<hbm>>
    %dma_wait3A_235 = arith.constant 0 : i32
    %dma_wait3A_236 = tpu.memref_slice %arg4[%add3A_232, %dma_wait3A_235] : memref<819200x128xf32, #tpu.memory_space<hbm>> -> memref<1600x32xf32, #tpu.memory_space<hbm>>
    tpu.wait_dma2 semaphore(%arg11 : memref<!tpu.dma_semaphore, #tpu.memory_space<semaphore_mem>>) src(%arg7 : memref<1600x32xf32, #tpu.memory_space<vmem>>) dst(%dma_wait3A_236 : memref<1600x32xf32, #tpu.memory_space<hbm>>)
    %dma_start3A_237 = arith.constant 17600 : i32
    %dma_start3A_238 = tpu.memref_slice %arg5[%dma_start3A_237] : memref<25600xi32, #tpu.memory_space<vmem>> -> memref<1600xi32, #tpu.memory_space<vmem>>
    %dma_start3A_239 = arith.constant 0 : i32
    %dma_start3A_240 = arith.constant 0 : i32
    %dma_start3A_241 = tpu.memref_slice %arg2[%dma_start3A_239, %dma_start3A_240] : memref<1000000x32xf32, #tpu.memory_space<hbm>> -> memref<1000000x32xf32, #tpu.memory_space<hbm>>
    tpu.enqueue_indirect_dma source(%dma_start3A_241 : memref<1000000x32xf32, #tpu.memory_space<hbm>>) target(%arg7 : memref<1600x32xf32, #tpu.memory_space<vmem>>) offsets(%dma_start3A_238 : memref<1600xi32, #tpu.memory_space<vmem>>) semaphore(%arg9 : memref<!tpu.dma_semaphore, #tpu.memory_space<semaphore_mem>>)
    %dma_wait3A_242 = arith.constant 17600 : i32
    %dma_wait3A_243 = tpu.memref_slice %arg5[%dma_wait3A_242] : memref<25600xi32, #tpu.memory_space<vmem>> -> memref<1600xi32, #tpu.memory_space<vmem>>
    %dma_wait3A_244 = arith.constant 0 : i32
    %dma_wait3A_245 = arith.constant 0 : i32
    %dma_wait3A_246 = tpu.memref_slice %arg2[%dma_wait3A_244, %dma_wait3A_245] : memref<1000000x32xf32, #tpu.memory_space<hbm>> -> memref<1000000x32xf32, #tpu.memory_space<hbm>>
    tpu.wait_indirect_dma semaphore(%arg9 : memref<!tpu.dma_semaphore, #tpu.memory_space<semaphore_mem>>) src(%dma_wait3A_246 : memref<1000000x32xf32, #tpu.memory_space<hbm>>) dst(%arg7 : memref<1600x32xf32, #tpu.memory_space<vmem>>)
    %add3A_247 = arith.constant 17600 : i32
    %add3A_248 = arith.addi %mul3A_2, %add3A_247 : i32
    %dma_start3A_249 = arith.constant 0 : i32
    %dma_start3A_250 = tpu.memref_slice %arg4[%add3A_248, %dma_start3A_249] : memref<819200x128xf32, #tpu.memory_space<hbm>> -> memref<1600x32xf32, #tpu.memory_space<hbm>>
    %dma_start3A_251 = arith.constant 0 : i32
    %dma_start3A_252 = tpu.memref_slice %arg4[%add3A_248, %dma_start3A_251] : memref<819200x128xf32, #tpu.memory_space<hbm>> -> memref<1600x32xf32, #tpu.memory_space<hbm>>
    tpu.enqueue_dma source(%arg7 : memref<1600x32xf32, #tpu.memory_space<vmem>>) target(%dma_start3A_252 : memref<1600x32xf32, #tpu.memory_space<hbm>>) target_semaphore(%arg11 : memref<!tpu.dma_semaphore, #tpu.memory_space<semaphore_mem>>)
    %add3A_253 = arith.constant 19200 : i32
    %add3A_254 = arith.addi %mul3A_2, %add3A_253 : i32
    %dma_wait3A_255 = arith.constant 0 : i32
    %dma_wait3A_256 = tpu.memref_slice %arg4[%add3A_254, %dma_wait3A_255] : memref<819200x128xf32, #tpu.memory_space<hbm>> -> memref<1600x32xf32, #tpu.memory_space<hbm>>
    %dma_wait3A_257 = arith.constant 0 : i32
    %dma_wait3A_258 = tpu.memref_slice %arg4[%add3A_254, %dma_wait3A_257] : memref<819200x128xf32, #tpu.memory_space<hbm>> -> memref<1600x32xf32, #tpu.memory_space<hbm>>
    tpu.wait_dma2 semaphore(%arg10 : memref<!tpu.dma_semaphore, #tpu.memory_space<semaphore_mem>>) src(%arg6 : memref<1600x32xf32, #tpu.memory_space<vmem>>) dst(%dma_wait3A_258 : memref<1600x32xf32, #tpu.memory_space<hbm>>)
    %dma_start3A_259 = arith.constant 19200 : i32
    %dma_start3A_260 = tpu.memref_slice %arg5[%dma_start3A_259] : memref<25600xi32, #tpu.memory_space<vmem>> -> memref<1600xi32, #tpu.memory_space<vmem>>
    %dma_start3A_261 = arith.constant 0 : i32
    %dma_start3A_262 = arith.constant 0 : i32
    %dma_start3A_263 = tpu.memref_slice %arg2[%dma_start3A_261, %dma_start3A_262] : memref<1000000x32xf32, #tpu.memory_space<hbm>> -> memref<1000000x32xf32, #tpu.memory_space<hbm>>
    tpu.enqueue_indirect_dma source(%dma_start3A_263 : memref<1000000x32xf32, #tpu.memory_space<hbm>>) target(%arg6 : memref<1600x32xf32, #tpu.memory_space<vmem>>) offsets(%dma_start3A_260 : memref<1600xi32, #tpu.memory_space<vmem>>) semaphore(%arg8 : memref<!tpu.dma_semaphore, #tpu.memory_space<semaphore_mem>>)
    %dma_wait3A_264 = arith.constant 19200 : i32
    %dma_wait3A_265 = tpu.memref_slice %arg5[%dma_wait3A_264] : memref<25600xi32, #tpu.memory_space<vmem>> -> memref<1600xi32, #tpu.memory_space<vmem>>
    %dma_wait3A_266 = arith.constant 0 : i32
    %dma_wait3A_267 = arith.constant 0 : i32
    %dma_wait3A_268 = tpu.memref_slice %arg2[%dma_wait3A_266, %dma_wait3A_267] : memref<1000000x32xf32, #tpu.memory_space<hbm>> -> memref<1000000x32xf32, #tpu.memory_space<hbm>>
    tpu.wait_indirect_dma semaphore(%arg8 : memref<!tpu.dma_semaphore, #tpu.memory_space<semaphore_mem>>) src(%dma_wait3A_268 : memref<1000000x32xf32, #tpu.memory_space<hbm>>) dst(%arg6 : memref<1600x32xf32, #tpu.memory_space<vmem>>)
    %add3A_269 = arith.constant 19200 : i32
    %add3A_270 = arith.addi %mul3A_2, %add3A_269 : i32
    %dma_start3A_271 = arith.constant 0 : i32
    %dma_start3A_272 = tpu.memref_slice %arg4[%add3A_270, %dma_start3A_271] : memref<819200x128xf32, #tpu.memory_space<hbm>> -> memref<1600x32xf32, #tpu.memory_space<hbm>>
    %dma_start3A_273 = arith.constant 0 : i32
    %dma_start3A_274 = tpu.memref_slice %arg4[%add3A_270, %dma_start3A_273] : memref<819200x128xf32, #tpu.memory_space<hbm>> -> memref<1600x32xf32, #tpu.memory_space<hbm>>
    tpu.enqueue_dma source(%arg6 : memref<1600x32xf32, #tpu.memory_space<vmem>>) target(%dma_start3A_274 : memref<1600x32xf32, #tpu.memory_space<hbm>>) target_semaphore(%arg10 : memref<!tpu.dma_semaphore, #tpu.memory_space<semaphore_mem>>)
    %add3A_275 = arith.constant 20800 : i32
    %add3A_276 = arith.addi %mul3A_2, %add3A_275 : i32
    %dma_wait3A_277 = arith.constant 0 : i32
    %dma_wait3A_278 = tpu.memref_slice %arg4[%add3A_276, %dma_wait3A_277] : memref<819200x128xf32, #tpu.memory_space<hbm>> -> memref<1600x32xf32, #tpu.memory_space<hbm>>
    %dma_wait3A_279 = arith.constant 0 : i32
    %dma_wait3A_280 = tpu.memref_slice %arg4[%add3A_276, %dma_wait3A_279] : memref<819200x128xf32, #tpu.memory_space<hbm>> -> memref<1600x32xf32, #tpu.memory_space<hbm>>
    tpu.wait_dma2 semaphore(%arg11 : memref<!tpu.dma_semaphore, #tpu.memory_space<semaphore_mem>>) src(%arg7 : memref<1600x32xf32, #tpu.memory_space<vmem>>) dst(%dma_wait3A_280 : memref<1600x32xf32, #tpu.memory_space<hbm>>)
    %dma_start3A_281 = arith.constant 20800 : i32
    %dma_start3A_282 = tpu.memref_slice %arg5[%dma_start3A_281] : memref<25600xi32, #tpu.memory_space<vmem>> -> memref<1600xi32, #tpu.memory_space<vmem>>
    %dma_start3A_283 = arith.constant 0 : i32
    %dma_start3A_284 = arith.constant 0 : i32
    %dma_start3A_285 = tpu.memref_slice %arg2[%dma_start3A_283, %dma_start3A_284] : memref<1000000x32xf32, #tpu.memory_space<hbm>> -> memref<1000000x32xf32, #tpu.memory_space<hbm>>
    tpu.enqueue_indirect_dma source(%dma_start3A_285 : memref<1000000x32xf32, #tpu.memory_space<hbm>>) target(%arg7 : memref<1600x32xf32, #tpu.memory_space<vmem>>) offsets(%dma_start3A_282 : memref<1600xi32, #tpu.memory_space<vmem>>) semaphore(%arg9 : memref<!tpu.dma_semaphore, #tpu.memory_space<semaphore_mem>>)
    %dma_wait3A_286 = arith.constant 20800 : i32
    %dma_wait3A_287 = tpu.memref_slice %arg5[%dma_wait3A_286] : memref<25600xi32, #tpu.memory_space<vmem>> -> memref<1600xi32, #tpu.memory_space<vmem>>
    %dma_wait3A_288 = arith.constant 0 : i32
    %dma_wait3A_289 = arith.constant 0 : i32
    %dma_wait3A_290 = tpu.memref_slice %arg2[%dma_wait3A_288, %dma_wait3A_289] : memref<1000000x32xf32, #tpu.memory_space<hbm>> -> memref<1000000x32xf32, #tpu.memory_space<hbm>>
    tpu.wait_indirect_dma semaphore(%arg9 : memref<!tpu.dma_semaphore, #tpu.memory_space<semaphore_mem>>) src(%dma_wait3A_290 : memref<1000000x32xf32, #tpu.memory_space<hbm>>) dst(%arg7 : memref<1600x32xf32, #tpu.memory_space<vmem>>)
    %add3A_291 = arith.constant 20800 : i32
    %add3A_292 = arith.addi %mul3A_2, %add3A_291 : i32
    %dma_start3A_293 = arith.constant 0 : i32
    %dma_start3A_294 = tpu.memref_slice %arg4[%add3A_292, %dma_start3A_293] : memref<819200x128xf32, #tpu.memory_space<hbm>> -> memref<1600x32xf32, #tpu.memory_space<hbm>>
    %dma_start3A_295 = arith.constant 0 : i32
    %dma_start3A_296 = tpu.memref_slice %arg4[%add3A_292, %dma_start3A_295] : memref<819200x128xf32, #tpu.memory_space<hbm>> -> memref<1600x32xf32, #tpu.memory_space<hbm>>
    tpu.enqueue_dma source(%arg7 : memref<1600x32xf32, #tpu.memory_space<vmem>>) target(%dma_start3A_296 : memref<1600x32xf32, #tpu.memory_space<hbm>>) target_semaphore(%arg11 : memref<!tpu.dma_semaphore, #tpu.memory_space<semaphore_mem>>)
    %add3A_297 = arith.constant 22400 : i32
    %add3A_298 = arith.addi %mul3A_2, %add3A_297 : i32
    %dma_wait3A_299 = arith.constant 0 : i32
    %dma_wait3A_300 = tpu.memref_slice %arg4[%add3A_298, %dma_wait3A_299] : memref<819200x128xf32, #tpu.memory_space<hbm>> -> memref<1600x32xf32, #tpu.memory_space<hbm>>
    %dma_wait3A_301 = arith.constant 0 : i32
    %dma_wait3A_302 = tpu.memref_slice %arg4[%add3A_298, %dma_wait3A_301] : memref<819200x128xf32, #tpu.memory_space<hbm>> -> memref<1600x32xf32, #tpu.memory_space<hbm>>
    tpu.wait_dma2 semaphore(%arg10 : memref<!tpu.dma_semaphore, #tpu.memory_space<semaphore_mem>>) src(%arg6 : memref<1600x32xf32, #tpu.memory_space<vmem>>) dst(%dma_wait3A_302 : memref<1600x32xf32, #tpu.memory_space<hbm>>)
    %dma_start3A_303 = arith.constant 22400 : i32
    %dma_start3A_304 = tpu.memref_slice %arg5[%dma_start3A_303] : memref<25600xi32, #tpu.memory_space<vmem>> -> memref<1600xi32, #tpu.memory_space<vmem>>
    %dma_start3A_305 = arith.constant 0 : i32
    %dma_start3A_306 = arith.constant 0 : i32
    %dma_start3A_307 = tpu.memref_slice %arg2[%dma_start3A_305, %dma_start3A_306] : memref<1000000x32xf32, #tpu.memory_space<hbm>> -> memref<1000000x32xf32, #tpu.memory_space<hbm>>
    tpu.enqueue_indirect_dma source(%dma_start3A_307 : memref<1000000x32xf32, #tpu.memory_space<hbm>>) target(%arg6 : memref<1600x32xf32, #tpu.memory_space<vmem>>) offsets(%dma_start3A_304 : memref<1600xi32, #tpu.memory_space<vmem>>) semaphore(%arg8 : memref<!tpu.dma_semaphore, #tpu.memory_space<semaphore_mem>>)
    %dma_wait3A_308 = arith.constant 22400 : i32
    %dma_wait3A_309 = tpu.memref_slice %arg5[%dma_wait3A_308] : memref<25600xi32, #tpu.memory_space<vmem>> -> memref<1600xi32, #tpu.memory_space<vmem>>
    %dma_wait3A_310 = arith.constant 0 : i32
    %dma_wait3A_311 = arith.constant 0 : i32
    %dma_wait3A_312 = tpu.memref_slice %arg2[%dma_wait3A_310, %dma_wait3A_311] : memref<1000000x32xf32, #tpu.memory_space<hbm>> -> memref<1000000x32xf32, #tpu.memory_space<hbm>>
    tpu.wait_indirect_dma semaphore(%arg8 : memref<!tpu.dma_semaphore, #tpu.memory_space<semaphore_mem>>) src(%dma_wait3A_312 : memref<1000000x32xf32, #tpu.memory_space<hbm>>) dst(%arg6 : memref<1600x32xf32, #tpu.memory_space<vmem>>)
    %add3A_313 = arith.constant 22400 : i32
    %add3A_314 = arith.addi %mul3A_2, %add3A_313 : i32
    %dma_start3A_315 = arith.constant 0 : i32
    %dma_start3A_316 = tpu.memref_slice %arg4[%add3A_314, %dma_start3A_315] : memref<819200x128xf32, #tpu.memory_space<hbm>> -> memref<1600x32xf32, #tpu.memory_space<hbm>>
    %dma_start3A_317 = arith.constant 0 : i32
    %dma_start3A_318 = tpu.memref_slice %arg4[%add3A_314, %dma_start3A_317] : memref<819200x128xf32, #tpu.memory_space<hbm>> -> memref<1600x32xf32, #tpu.memory_space<hbm>>
    tpu.enqueue_dma source(%arg6 : memref<1600x32xf32, #tpu.memory_space<vmem>>) target(%dma_start3A_318 : memref<1600x32xf32, #tpu.memory_space<hbm>>) target_semaphore(%arg10 : memref<!tpu.dma_semaphore, #tpu.memory_space<semaphore_mem>>)
    %add3A_319 = arith.constant 24000 : i32
    %add3A_320 = arith.addi %mul3A_2, %add3A_319 : i32
    %dma_wait3A_321 = arith.constant 0 : i32
    %dma_wait3A_322 = tpu.memref_slice %arg4[%add3A_320, %dma_wait3A_321] : memref<819200x128xf32, #tpu.memory_space<hbm>> -> memref<1600x32xf32, #tpu.memory_space<hbm>>
    %dma_wait3A_323 = arith.constant 0 : i32
    %dma_wait3A_324 = tpu.memref_slice %arg4[%add3A_320, %dma_wait3A_323] : memref<819200x128xf32, #tpu.memory_space<hbm>> -> memref<1600x32xf32, #tpu.memory_space<hbm>>
    tpu.wait_dma2 semaphore(%arg11 : memref<!tpu.dma_semaphore, #tpu.memory_space<semaphore_mem>>) src(%arg7 : memref<1600x32xf32, #tpu.memory_space<vmem>>) dst(%dma_wait3A_324 : memref<1600x32xf32, #tpu.memory_space<hbm>>)
    %dma_start3A_325 = arith.constant 24000 : i32
    %dma_start3A_326 = tpu.memref_slice %arg5[%dma_start3A_325] : memref<25600xi32, #tpu.memory_space<vmem>> -> memref<1600xi32, #tpu.memory_space<vmem>>
    %dma_start3A_327 = arith.constant 0 : i32
    %dma_start3A_328 = arith.constant 0 : i32
    %dma_start3A_329 = tpu.memref_slice %arg2[%dma_start3A_327, %dma_start3A_328] : memref<1000000x32xf32, #tpu.memory_space<hbm>> -> memref<1000000x32xf32, #tpu.memory_space<hbm>>
    tpu.enqueue_indirect_dma source(%dma_start3A_329 : memref<1000000x32xf32, #tpu.memory_space<hbm>>) target(%arg7 : memref<1600x32xf32, #tpu.memory_space<vmem>>) offsets(%dma_start3A_326 : memref<1600xi32, #tpu.memory_space<vmem>>) semaphore(%arg9 : memref<!tpu.dma_semaphore, #tpu.memory_space<semaphore_mem>>)
    %dma_wait3A_330 = arith.constant 24000 : i32
    %dma_wait3A_331 = tpu.memref_slice %arg5[%dma_wait3A_330] : memref<25600xi32, #tpu.memory_space<vmem>> -> memref<1600xi32, #tpu.memory_space<vmem>>
    %dma_wait3A_332 = arith.constant 0 : i32
    %dma_wait3A_333 = arith.constant 0 : i32
    %dma_wait3A_334 = tpu.memref_slice %arg2[%dma_wait3A_332, %dma_wait3A_333] : memref<1000000x32xf32, #tpu.memory_space<hbm>> -> memref<1000000x32xf32, #tpu.memory_space<hbm>>
    tpu.wait_indirect_dma semaphore(%arg9 : memref<!tpu.dma_semaphore, #tpu.memory_space<semaphore_mem>>) src(%dma_wait3A_334 : memref<1000000x32xf32, #tpu.memory_space<hbm>>) dst(%arg7 : memref<1600x32xf32, #tpu.memory_space<vmem>>)
    %add3A_335 = arith.constant 24000 : i32
    %add3A_336 = arith.addi %mul3A_2, %add3A_335 : i32
    %dma_start3A_337 = arith.constant 0 : i32
    %dma_start3A_338 = tpu.memref_slice %arg4[%add3A_336, %dma_start3A_337] : memref<819200x128xf32, #tpu.memory_space<hbm>> -> memref<1600x32xf32, #tpu.memory_space<hbm>>
    %dma_start3A_339 = arith.constant 0 : i32
    %dma_start3A_340 = tpu.memref_slice %arg4[%add3A_336, %dma_start3A_339] : memref<819200x128xf32, #tpu.memory_space<hbm>> -> memref<1600x32xf32, #tpu.memory_space<hbm>>
    tpu.enqueue_dma source(%arg7 : memref<1600x32xf32, #tpu.memory_space<vmem>>) target(%dma_start3A_340 : memref<1600x32xf32, #tpu.memory_space<hbm>>) target_semaphore(%arg11 : memref<!tpu.dma_semaphore, #tpu.memory_space<semaphore_mem>>)
    %add3A_341 = arith.constant 22400 : i32
    %add3A_342 = arith.addi %mul3A_2, %add3A_341 : i32
    %dma_wait3A_343 = arith.constant 0 : i32
    %dma_wait3A_344 = tpu.memref_slice %arg4[%add3A_342, %dma_wait3A_343] : memref<819200x128xf32, #tpu.memory_space<hbm>> -> memref<1600x32xf32, #tpu.memory_space<hbm>>
    %dma_wait3A_345 = arith.constant 0 : i32
    %dma_wait3A_346 = tpu.memref_slice %arg4[%add3A_342, %dma_wait3A_345] : memref<819200x128xf32, #tpu.memory_space<hbm>> -> memref<1600x32xf32, #tpu.memory_space<hbm>>
    tpu.wait_dma2 semaphore(%arg10 : memref<!tpu.dma_semaphore, #tpu.memory_space<semaphore_mem>>) src(%arg6 : memref<1600x32xf32, #tpu.memory_space<vmem>>) dst(%dma_wait3A_346 : memref<1600x32xf32, #tpu.memory_space<hbm>>)
    %add3A_347 = arith.constant 24000 : i32
    %add3A_348 = arith.addi %mul3A_2, %add3A_347 : i32
    %dma_wait3A_349 = arith.constant 0 : i32
    %dma_wait3A_350 = tpu.memref_slice %arg4[%add3A_348, %dma_wait3A_349] : memref<819200x128xf32, #tpu.memory_space<hbm>> -> memref<1600x32xf32, #tpu.memory_space<hbm>>
    %dma_wait3A_351 = arith.constant 0 : i32
    %dma_wait3A_352 = tpu.memref_slice %arg4[%add3A_348, %dma_wait3A_351] : memref<819200x128xf32, #tpu.memory_space<hbm>> -> memref<1600x32xf32, #tpu.memory_space<hbm>>
    tpu.wait_dma2 semaphore(%arg11 : memref<!tpu.dma_semaphore, #tpu.memory_space<semaphore_mem>>) src(%arg7 : memref<1600x32xf32, #tpu.memory_space<vmem>>) dst(%dma_wait3A_352 : memref<1600x32xf32, #tpu.memory_space<hbm>>)
    return
  }
}

</mosaic_0001>

<sc_bundles>
// kernel: kernel.3.cloned.1.call-start
scs
__scs_entry_jumppad:
0x0: {  	(pc) =	sbr.rel $0x88, $3  }
0x1: {  	(tag) =	ssettag $0x0;
	lr =	simm.s32 $0x1  }
0x2: {  	[smem:$0x3F9F] =	sst lr;
	_ =	strace $0xD0000000  }
0x3: {  	_ = 	snop  }
0x4: {  	_ = 	snop  }
0x5: {  	_ = 	snop  }
0x6: {  	_ = 	snop  }
0x7: {  	_ = 	snop  }
__scs_overlays_trampoline_lowered:
0x8: {  	[smem:$0x3FAE] =	sst s0  }
0x9: {  	[smem:$0x3FAF] =	sst s1  }
0xa: {  	[smem:$0x3FB0] =	sst s2  }
0xb: {  	[smem:$0x3FB1] =	sst s3  }
0xc: {  	[smem:$0x3FB2] =	sst s4  }
0xd: {  	[smem:$0x3FB3] =	sst s5  }
0xe: {  	[smem:$0x3FB4] =	sst s6  }
0xf: {  	[smem:$0x3FB5] =	sst s7  }
0x10: {  	[smem:$0x3FB6] =	sst s8  }
0x11: {  	[smem:$0x3FB7] =	sst s9;
	s0 =	simm.s32 @!p0 $0x0  }
0x12: {  	s1 =	sld [smem:$0x3F9D];
	s0 =	simm.s32 @p0 $0x1  }
0x13: {  	[smem:$0x3FB8] =	sst s0;
	s0 =	simm.s32 @!p1 $0x0  }
0x14: {  	s2 =	sld [smem:$0x3F9C];
	s0 =	simm.s32 @p1 $0x1  }
0x15: {  	[smem:$0x3FB9] =	sst s0;
	s0 =	simm.s32 @!p2 $0x0  }
0x16: {  	s3 =	sld [smem:$0x3FDB];
	s0 =	simm.s32 @p2 $0x1  }
0x17: {  	s4 =	simm.s32 $0x1BF5;
	[smem:$0x3FBB] =	sst s0  }
0x18: {  	s0 =	sld [smem:$0x3F9E];
	_ =	swait.ge [sflag:s4], $0x0  }
0x19: {  	s7 =	sld [smem:$0x3F9F]  }
0x1a: {  	s8 =	sadd.s32 $0xFFFFE003, lr  }
0x1b: {  	s9 =	sadd.s32 $0xFFFFFEF7, lr;
	s5 =	simm.s32 $0xFFFFFFFF;
	p2 =	slt.u32 s8, $0xFFFFF086  }
0x1c: {  	p1 =	slt.u32 s9, $0xF7A;
	s5 =	simm.s32 @!p2 $0x0  }
0x1d: {  	s5 =	simm.s32 @p1 $0x1;
	p0 =	seq.s32 s7, s2  }
0x1e: {  	s7 =	smul.u32 @!p0 $0xF7A, s2;
	p2 =	seq.s32 @!p0 s5, $0x0  }
0x1f: {  	s9 =	smul.u32 $0xF7A, s1;
	s8 =	simm.s32 @!p0 $0x1BF5;
	p2 =	por !p2, p0  }
0x20: {  	[sflag:s8] =	ssyncset.s32 @!p0 $0xFFFFF086;
	s6 =	sadd.s32 @!p0 s3, s7;
	s7 =	simm.s32 @!p0 $0x108  }
0x21: {  	s3 =	sadd.s32 s3, s9;
	s6 =	sadd.s32 @!p0 $0x88, s6;
	s7 =	simm.s32 @p2 $0x1082  }
0x22: {  	[simem:s7], [sflag:s8] =	dma.local @!p0 [hbm:s6], $0xF7A  }
0x23: {  	s9 =	sor.u32 $0xD0000000, s2;
	s6 =	simm.s32 $0x108;
	_ =	swait.ge @!p0 [sflag:s8], $0x0  }
0x24: {  	s3 =	sadd.s32 $0x88, s3;
	s6 =	simm.s32 @!p1 $0x1082;
	[sflag:s4] =	ssyncset.s32 $0xFFFFF086  }
0x25: {  	[simem:s6], [sflag:s4] =	dma.local [hbm:s3], $0xF7A  }
0x26: {  	[smem:$0x3F9F] =	sst s1;
	(tag) =	ssettag s2;
	_ =	strace s9  }
0x27: {  	s1 =	sld [smem:$0x3FAF]  }
0x28: {  	s2 =	sld [smem:$0x3FB0]  }
0x29: {  	s4 =	sld [smem:$0x3FB2]  }
0x2a: {  	p0 =	seq.s32 s5, $0x0;
	s5 =	sld [smem:$0x3FB3]  }
0x2b: {  	s6 =	sld [smem:$0x3FB4]  }
0x2c: {  	s7 =	sld [smem:$0x3FB5]  }
0x2d: {  	s3 =	simm.s32 $0x108;
	s8 =	sld [smem:$0x3FB6]  }
0x2e: {  	s3 =	simm.s32 @!p0 $0x1082;
	s9 =	sld [smem:$0x3FB7]  }
0x2f: {  	lr =	sadd.s32 s0, s3;
	s0 =	sld [smem:$0x3FAE]  }
0x30: {  	s3 =	sld [smem:$0x3FB1]  }
0x31: {  	[smem:$0x3FBA] =	sst s10  }
0x32: {  	s10 =	sld [smem:$0x3FB8];
	_ =	sdelay $0x3  }
0x33: {  	p0 =	seq.s32 s10, $0x1;
	s10 =	sld [smem:$0x3FBA];
	_ =	sdelay $0x3  }
0x34: {  	[smem:$0x3FBA] =	sst s10  }
0x35: {  	s10 =	sld [smem:$0x3FB9];
	_ =	sdelay $0x3  }
0x36: {  	p1 =	seq.s32 s10, $0x1;
	s10 =	sld [smem:$0x3FBA];
	_ =	sdelay $0x3  }
0x37: {  	[smem:$0x3FBA] =	sst s10  }
0x38: {  	s10 =	sld [smem:$0x3FBB]  }
0x39: {  	_ = 	snop;
	(pc) =	sbr.ind lr, $3  }
0x3a: {  	_ = 	snop  }
0x3b: {  	_ = 	snop  }
0x3c: {  	p2 =	seq.s32 s10, $0x1;
	s10 =	sld [smem:$0x3FBA]  }
0x3d: {  	_ =	shalt  }
0x3e: {  	_ =	shalt  }
0x3f: {  	_ =	shalt  }
0x40: {  	_ =	shalt  }
0x41: {  	_ =	shalt  }
0x42: {  	_ =	shalt  }
0x43: {  	_ =	shalt  }
0x44: {  	_ =	shalt  }
0x45: {  	_ =	shalt  }
0x46: {  	_ =	shalt  }
0x47: {  	_ =	shalt  }
0x48: {  	_ =	shalt  }
0x49: {  	_ =	shalt  }
0x4a: {  	_ =	shalt  }
0x4b: {  	_ =	shalt  }
0x4c: {  	_ =	shalt  }
0x4d: {  	_ =	shalt  }
0x4e: {  	_ =	shalt  }
0x4f: {  	_ =	shalt  }
0x50: {  	_ =	shalt  }
0x51: {  	_ =	shalt  }
0x52: {  	_ =	shalt  }
0x53: {  	_ =	shalt  }
0x54: {  	_ =	shalt  }
0x55: {  	_ =	shalt  }
0x56: {  	_ =	shalt  }
0x57: {  	_ =	shalt  }
0x58: {  	_ =	shalt  }
0x59: {  	_ =	shalt  }
0x5a: {  	_ =	shalt  }
0x5b: {  	_ =	shalt  }
0x5c: {  	_ =	shalt  }
0x5d: {  	_ =	shalt  }
0x5e: {  	_ =	shalt  }
0x5f: {  	_ =	shalt  }
0x60: {  	_ =	shalt  }
0x61: {  	_ =	shalt  }
0x62: {  	_ =	shalt  }
0x63: {  	_ =	shalt  }
0x64: {  	_ =	shalt  }
0x65: {  	_ =	shalt  }
0x66: {  	_ =	shalt  }
0x67: {  	_ =	shalt  }
0x68: {  	_ =	shalt  }
0x69: {  	_ =	shalt  }
0x6a: {  	_ =	shalt  }
0x6b: {  	_ =	shalt  }
0x6c: {  	_ =	shalt  }
0x6d: {  	_ =	shalt  }
0x6e: {  	_ =	shalt  }
0x6f: {  	_ =	shalt  }
0x70: {  	_ =	shalt  }
0x71: {  	_ =	shalt  }
0x72: {  	_ =	shalt  }
0x73: {  	_ =	shalt  }
0x74: {  	_ =	shalt  }
0x75: {  	_ =	shalt  }
0x76: {  	_ =	shalt  }
0x77: {  	_ =	shalt  }
0x78: {  	_ =	shalt  }
0x79: {  	_ =	shalt  }
0x7a: {  	_ =	shalt  }
0x7b: {  	_ =	shalt  }
0x7c: {  	_ =	shalt  }
0x7d: {  	_ =	shalt  }
0x7e: {  	_ =	shalt  }
0x7f: {  	_ =	shalt  }
0x80: {  	_ =	shalt  }
0x81: {  	_ =	shalt  }
0x82: {  	_ =	shalt  }
0x83: {  	_ =	shalt  }
0x84: {  	_ =	shalt  }
0x85: {  	_ =	shalt  }
0x86: {  	_ =	shalt  }
0x87: {  	_ =	shalt  }
.Lfunc_end0:
.L_simem_size_0:
called_computation.1_lowered:
.L_overlay_start_0:
0x88: {  	s2 =	sld [smem:$0x3FD9]  }
0x89: {  	s3 =	sld [smem:$0x3FFE];
	_ =	sdelay $0x1  }
0x8a: {  	s1 =	srdreg.scid  }
0x8b: {  	s0 =	sand.u32 $0x1, s1  }
0x8c: {  	s17 =	sshll.u32 s0, $0xA;
	s2 =	sadd.s32 s3, s2  }
0x8d: {  	s2 =	sadd.s32 s2, s17  }
0x8e: {  	[smem:$0x3FC6] =	sst s2  }
0x8f: {  	_ = 	snop  }
0x90: {  	s2 =	sld [smem:$0x3FD0];
	(tm) =	ssettm $0x1  }
0x91: {  	s18 =	sld [smem:$0x3FFB];
	_ =	sdelay $0x3  }
0x92: {  	_ =	strace s18  }
0x93: {  	s3 =	sld [smem:$0x3FFC];
	_ =	sdelay $0x3  }
0x94: {  	_ =	strace s3  }
0x95: {  	s3 =	sld [smem:$0x3FFD];
	_ =	sdelay $0x3  }
0x96: {  	_ =	strace s3  }
0x97: {  	_ =	strace $0x8FFFFFFF  }
0x98: {  	s19 =	sld [smem:$0x3FDB];
	_ =	sdelay $0x1  }
0x99: {  	s4 =	simm.s32 $_scs_section_size  }
0x9a: {  	s5 =	simm.s32 $_size__tile_overlayer_lowered;
	s6 =	simm.s32 $_tile_overlayer_lowered  }
0x9b: {  	s22 =	simm.s32 $0x1BFF;
	s21 =	sshll.u32 s6, $0x1;
	s3 =	sadd.s32 s4, s19  }
0x9c: {  	s7 =	simm.s32 $0x0;
	s20 =	sshll.u32 s5, $0x1;
	s5 =	sadd.s32 s21, s3  }
0x9d: {  	[timem:s7], [sflag:s22] =	dma.local [hbm:s5], s20  }
0x9e: {  	_ =	swait.ge [sflag:s22], s20  }
0x9f: {  	s4 =	ssub.s32 $0x0, s20;
	[sflag:s22] =	ssyncset.done $0x0  }
0xa0: {  	[sflag:s22] =	ssyncadd.s32 s4;
	_ =	sdelay $0x1  }
0xa1: {  	s23 =	simm.s32 $0x1B8B  }
0xa2: {  	_ =	swait.ge [sflag:s23], $0x1  }
0xa3: {  	[sflag:s23] =	ssyncset.done $0x0  }
0xa4: {  	s25 =	simm.s32 $0x1B8E;
	s24 =	sld [smem:$0x3FFE];
	[sflag:s23] =	ssyncadd.s32 $0xFFFFFFFF  }
0xa5: {  	s26 =	simm.s32 $execute0_lowered;
	[smem:$0x3FD2] =	sst s25  }
0xa6: {  	s5 =	sshll.u32 s26, $0x1;
	_ =	strace $0x80000046;
	[dreg:$0x1] =	wrdreg $0xFFFFFFFF  }
0xa7: {  	s28 =	simm.s32 $_size_execute0_lowered;
	s3 =	sadd.s32 s3, s5;
	[dreg:$0x0] =	wrdreg $0x0  }
0xa8: {  	s5 =	sshll.u32 s28, $0x1;
	[dreg:$0x2] =	wrdreg s3  }
0xa9: {  	[dreg:$0x3] =	wrdreg s5  }
0xaa: {  	[dreg:$0x4] =	wrdreg $0xC0  }
0xab: {  	_ =	task [dreg:s7], $0x5FFFF  }
0xac: {  	[dreg:$0x1] =	wrdreg $0xFFFFFFFF  }
0xad: {  	[dreg:$0x0] =	wrdreg $0x60  }
0xae: {  	[dreg:$0x2] =	wrdreg s24  }
0xaf: {  	[dreg:$0x3] =	wrdreg s2  }
0xb0: {  	[dreg:$0x4] =	wrdreg $0x9  }
0xb1: {  	_ =	task.clear_ibuf [dreg:s7], $0x5FFFF;
	_ =	strace $0x90000046  }
0xb2: {  	s29 =	simm.s32 $0x9;
	_ =	strace $0x80000048  }
0xb3: {  	_ =	swait.ge [sflag:s29], $0x1  }
0xb4: {  	[sflag:s29] =	ssyncadd.s32 $0xFFFFFFFF  }
0xb5: {  	_ =	strace $0x90000048  }
0xb6: {  	_ =	sfence  }
0xb7: {  	s30 =	sld [smem:$0x0];
	_ =	sdelay $0x2  }
0xb8: {  	s31 =	sshll.u32 s1, $0xD;
	s1 =	sshrl.u32 s1, $0x2  }
0xb9: {  	s3 =	sand.u32 $0x4000, s31;
	s1 =	sadd.s32 s1, s30  }
0xba: {  	s0 =	sor.u32 s3, s0;
	s1 =	sshll.u32 s1, $0x11  }
0xbb: {  	s0 =	sor.u32 s1, s0  }
0xbc: {  	s0 =	sadd.s32 $0x8F2B, s0  }
0xbd: {  	[sflag:s0] =	ssyncadd.remote.s32 $0x1  }
0xbe: {  	_ =	sfence.sel $0xFFFF  }
0xbf: {  	[dreg:$0x0] =	wrdreg $0xFFFFFFFF;
	(pc) =	sbr.abs _section_cstart, $3  }
0xc0: {  	[dreg:$0x1] =	wrdreg $0xFFFFFFFF  }
0xc1: {  	_ =	task.clear_ibuf [dreg:s7], $0x2FFFF;
	_ =	strace $0x9FFFFFFF  }
0xc2: {  	(tm) =	ssettm $0x7FFFFFFF  }
0xc3: {  	_ =	shalt  }
tec
execute0_lowered:
.L_overlay_start_1:
0x0: {  	(tag) =	ssettag $0x1  }
0x1: {  	s0 =	srdreg.scid  }
0x2: {  	s2 =	stileid.u32;
	s1 =	rddreg [dreg:$0x0]  }
0x3: {  	s3 =	rddreg [dreg:$0x1];
	s0 =	sand.u32 $0x1, s0;
	s2 =	sshll.u32 s2, $0x1  }
0x4: {  	s23 =	simm.s32 $0x0;
	s31 =	simm.s32 $0x5;
	s2 =	sor.u32 s0, s2  }
0x5: {  	s7 =	simm.s32 $0x640;
	s8 =	simm.s32 $0x80;
	s4 =	smul.u32 $0xC80, s2  }
0x6: {  	s10 =	simm.s32 $0x12C00;
	s0 =	ssub.s32 $0x2, s0;
	s5 =	smul.u32 $0x320000, s2  }
0x7: {  	[smem:$0x7FF] =	sst s23;
	s2 =	smul.u32 $0x64000, s2;
	s24 =	sshrl.u32 s0, $0x1  }
0x8: {  	s6 =	sadd.s32 $0xA00, s1;
	_ =	strace $0x80000047;
	s0 =	ssub.s32 s0, s24  }
0x9: {  	s3 =	sadd.s32 s3, s4;
	s11 =	sshrl.u32 s5, $0x3;
	s2 =	sadd.s32 s6, s2  }
0xa: {  	s0 =	smax.u32 s0, $0x1;
	[dreg:$0x3] =	wrdreg s3;
	s12 =	sadd.s32 s6, s11  }
0xb: {  	[dreg:$0x4] =	wrdreg s2;
	s2 =	sadd.s32 $0xF42E00, s1;
	p1 =	sne.s32 s0, $0x1  }
0xc: {  	s1 =	sadd.s32 $0xFFFFFFFF, s0;
	s14 =	sadd.s32 $0x6400, s12;
	s0 =	rddreg [dreg:$0x3]  }
0xd: {  	s9 =	simm.s32 $0x3;
	s15 =	sadd.s32 $0xC800, s12;
	[dreg:$0x5] =	wrdreg s14  }
0xe: {  	s30 =	simm.s32 $0xC80;
	s16 =	sadd.s32 $0x12C00, s12;
	[dreg:$0x6] =	wrdreg s15  }
0xf: {  	s29 =	simm.s32 $0x12C0;
	s17 =	sadd.s32 $0x19000, s12;
	[dreg:$0x7] =	wrdreg s16  }
0x10: {  	s28 =	simm.s32 $0x1900;
	s18 =	sadd.s32 $0x1F400, s12;
	[dreg:$0x8] =	wrdreg s17  }
0x11: {  	p0 =	por $0x0, $0x0;
	s19 =	sadd.s32 $0x25800, s12;
	[dreg:$0x9] =	wrdreg s18  }
0x12: {  	s24 =	simm.s32 $0x2BC0;
	s20 =	sadd.s32 $0x2BC00, s12;
	[dreg:$0xa] =	wrdreg s19  }
0x13: {  	s5 =	simm.s32 $0x4;
	s4 =	sadd.s32 $0x32000, s12;
	[dreg:$0xb] =	wrdreg s20  }
0x14: {  	s11 =	simm.s32 $0x2;
	s21 =	sadd.s32 $0x38400, s12;
	[dreg:$0xc] =	wrdreg s4  }
0x15: {  	s22 =	sadd.s32 $0x3E800, s12;
	s25 =	sadd.s32 $0x44C00, s12;
	[dreg:$0xd] =	wrdreg s21  }
0x16: {  	s26 =	sadd.s32 $0x4B000, s12;
	s13 =	sadd.s32 $0x51400, s12;
	[dreg:$0xe] =	wrdreg s22  }
0x17: {  	s6 =	sadd.s32 $0x57800, s12;
	s3 =	sadd.s32 $0x5DC00, s12;
	[dreg:$0xf] =	wrdreg s25  }
.Ltmp0:
0x18: {  	s12 =	simm.s32 $0x6400;
	[dreg:$0x10] =	wrdreg s26;
	(pc) =	sbr.rel @!p1 .LBB2_3-.Ltmp0, $4  }
0x19: {  	s14 =	simm.s32 $0x1;
	s4 =	simm.s32 $0x20;
	s26 =	simm.s32 $0x1F40  }
0x1a: {  	s25 =	simm.s32 $0x2580;
	s22 =	simm.s32 $0x3200;
	s21 =	simm.s32 $0x3840  }
0x1b: {  	s20 =	simm.s32 $0x3E80;
	s19 =	simm.s32 $0x44C0;
	s18 =	simm.s32 $0x4B00  }
0x1c: {  	s17 =	simm.s32 $0x5140;
	s16 =	simm.s32 $0x5780;
	s15 =	simm.s32 $0x5DC0  }
0x1d: {  	[tilespmem:s23], [sflag:$0x5] =	stream.linear.gather [hbm4b:s0+s23], $0x6400, $0x38;
	[tilespmem:$0x1F400] =	vst v63  }
0x1e: {  	_ =	swait.ge [sflag:s31], $0x6400  }
0x1f: {  	[sflag:s31] =	ssyncset.done $0x0  }
0x20: {  	[sflag:s31] =	ssyncadd.s32 $0xFFFF9C00  }
0x21: {  	[tilespmem:s12], [sflag:$0x1] =	stream.indirect.gather [hbm4b:s2+s7], $0x20, s23, s7, $0xb8;
	[tilespmem:$0x1F400] =	vst v63  }
0x22: {  	_ =	swait.ge [sflag:s14], $0xC800  }
0x23: {  	[sflag:s14] =	ssyncset.done $0x0  }
0x24: {  	s0 =	rddreg [dreg:$0x4];
	[sflag:s14] =	ssyncadd.s32 $0xFFFF3800  }
0x25: {  	[hbm4b:s0+s4] =	stream.strided.scatter [tilespmem:s12], [sflag:$0x3], $0xC800, s8, s4, $0x38;
	[tilespmem:$0x1F400] =	vst v63  }
0x26: {  	_ = 	snop  }
0x27: {  	[tilespmem:s10], [sflag:$0x2] =	stream.indirect.gather [hbm4b:s2+s7], $0x20, s7, s7, $0xb8;
	[tilespmem:$0x1F400] =	vst v63  }
0x28: {  	_ =	swait.ge [sflag:s11], $0xC800  }
0x29: {  	[sflag:s11] =	ssyncset.done $0x0  }
0x2a: {  	s0 =	rddreg [dreg:$0x5];
	[sflag:s11] =	ssyncadd.s32 $0xFFFF3800  }
0x2b: {  	[hbm4b:s0+s4] =	stream.strided.scatter [tilespmem:s10], [sflag:$0x4], $0xC800, s8, s4, $0x38;
	[tilespmem:$0x1F400] =	vst v63  }
0x2c: {  	_ =	swait.ge [sflag:s9], $0xC800  }
0x2d: {  	[sflag:s9] =	ssyncset.done $0x0  }
0x2e: {  	[sflag:s9] =	ssyncadd.s32 $0xFFFF3800  }
0x2f: {  	[tilespmem:s12], [sflag:$0x1] =	stream.indirect.gather [hbm4b:s2+s7], $0x20, s30, s7, $0xb8;
	[tilespmem:$0x1F400] =	vst v63  }
0x30: {  	_ =	swait.ge [sflag:s14], $0xC800  }
0x31: {  	[sflag:s14] =	ssyncset.done $0x0  }
0x32: {  	s0 =	rddreg [dreg:$0x6];
	[sflag:s14] =	ssyncadd.s32 $0xFFFF3800  }
0x33: {  	[hbm4b:s0+s4] =	stream.strided.scatter [tilespmem:s12], [sflag:$0x3], $0xC800, s8, s4, $0x38;
	[tilespmem:$0x1F400] =	vst v63  }
0x34: {  	_ =	swait.ge [sflag:s5], $0xC800  }
0x35: {  	[sflag:s5] =	ssyncset.done $0x0  }
0x36: {  	[sflag:s5] =	ssyncadd.s32 $0xFFFF3800  }
0x37: {  	[tilespmem:s10], [sflag:$0x2] =	stream.indirect.gather [hbm4b:s2+s7], $0x20, s29, s7, $0xb8;
	[tilespmem:$0x1F400] =	vst v63  }
0x38: {  	_ =	swait.ge [sflag:s11], $0xC800  }
0x39: {  	[sflag:s11] =	ssyncset.done $0x0  }
0x3a: {  	s0 =	rddreg [dreg:$0x7];
	[sflag:s11] =	ssyncadd.s32 $0xFFFF3800  }
0x3b: {  	[hbm4b:s0+s4] =	stream.strided.scatter [tilespmem:s10], [sflag:$0x4], $0xC800, s8, s4, $0x38;
	[tilespmem:$0x1F400] =	vst v63  }
0x3c: {  	_ =	swait.ge [sflag:s9], $0xC800  }
0x3d: {  	[sflag:s9] =	ssyncset.done $0x0  }
0x3e: {  	[sflag:s9] =	ssyncadd.s32 $0xFFFF3800  }
0x3f: {  	[tilespmem:s12], [sflag:$0x1] =	stream.indirect.gather [hbm4b:s2+s7], $0x20, s28, s7, $0xb8;
	[tilespmem:$0x1F400] =	vst v63  }
0x40: {  	_ =	swait.ge [sflag:s14], $0xC800  }
0x41: {  	[sflag:s14] =	ssyncset.done $0x0  }
0x42: {  	s0 =	rddreg [dreg:$0x8];
	[sflag:s14] =	ssyncadd.s32 $0xFFFF3800  }
0x43: {  	[hbm4b:s0+s4] =	stream.strided.scatter [tilespmem:s12], [sflag:$0x3], $0xC800, s8, s4, $0x38;
	[tilespmem:$0x1F400] =	vst v63  }
0x44: {  	_ =	swait.ge [sflag:s5], $0xC800  }
0x45: {  	[sflag:s5] =	ssyncset.done $0x0  }
0x46: {  	[sflag:s5] =	ssyncadd.s32 $0xFFFF3800  }
0x47: {  	[tilespmem:s10], [sflag:$0x2] =	stream.indirect.gather [hbm4b:s2+s7], $0x20, s26, s7, $0xb8;
	[tilespmem:$0x1F400] =	vst v63  }
0x48: {  	_ =	swait.ge [sflag:s11], $0xC800  }
0x49: {  	[sflag:s11] =	ssyncset.done $0x0  }
0x4a: {  	s0 =	rddreg [dreg:$0x9];
	[sflag:s11] =	ssyncadd.s32 $0xFFFF3800  }
0x4b: {  	[hbm4b:s0+s4] =	stream.strided.scatter [tilespmem:s10], [sflag:$0x4], $0xC800, s8, s4, $0x38;
	[tilespmem:$0x1F400] =	vst v63  }
0x4c: {  	_ =	swait.ge [sflag:s9], $0xC800  }
0x4d: {  	[sflag:s9] =	ssyncset.done $0x0  }
0x4e: {  	[sflag:s9] =	ssyncadd.s32 $0xFFFF3800  }
0x4f: {  	[tilespmem:s12], [sflag:$0x1] =	stream.indirect.gather [hbm4b:s2+s7], $0x20, s25, s7, $0xb8;
	[tilespmem:$0x1F400] =	vst v63  }
0x50: {  	_ =	swait.ge [sflag:s14], $0xC800  }
0x51: {  	[sflag:s14] =	ssyncset.done $0x0  }
0x52: {  	s0 =	rddreg [dreg:$0xa];
	[sflag:s14] =	ssyncadd.s32 $0xFFFF3800  }
0x53: {  	[hbm4b:s0+s4] =	stream.strided.scatter [tilespmem:s12], [sflag:$0x3], $0xC800, s8, s4, $0x38;
	[tilespmem:$0x1F400] =	vst v63  }
0x54: {  	_ =	swait.ge [sflag:s5], $0xC800  }
0x55: {  	[sflag:s5] =	ssyncset.done $0x0  }
0x56: {  	[sflag:s5] =	ssyncadd.s32 $0xFFFF3800  }
0x57: {  	[tilespmem:s10], [sflag:$0x2] =	stream.indirect.gather [hbm4b:s2+s7], $0x20, s24, s7, $0xb8;
	[tilespmem:$0x1F400] =	vst v63  }
0x58: {  	_ =	swait.ge [sflag:s11], $0xC800  }
0x59: {  	[sflag:s11] =	ssyncset.done $0x0  }
0x5a: {  	s0 =	rddreg [dreg:$0xb];
	[sflag:s11] =	ssyncadd.s32 $0xFFFF3800  }
0x5b: {  	[hbm4b:s0+s4] =	stream.strided.scatter [tilespmem:s10], [sflag:$0x4], $0xC800, s8, s4, $0x38;
	[tilespmem:$0x1F400] =	vst v63  }
0x5c: {  	_ =	swait.ge [sflag:s9], $0xC800  }
0x5d: {  	[sflag:s9] =	ssyncset.done $0x0  }
0x5e: {  	[sflag:s9] =	ssyncadd.s32 $0xFFFF3800  }
0x5f: {  	[tilespmem:s12], [sflag:$0x1] =	stream.indirect.gather [hbm4b:s2+s7], $0x20, s22, s7, $0xb8;
	[tilespmem:$0x1F400] =	vst v63  }
0x60: {  	_ =	swait.ge [sflag:s14], $0xC800  }
0x61: {  	[sflag:s14] =	ssyncset.done $0x0  }
0x62: {  	s0 =	rddreg [dreg:$0xc];
	[sflag:s14] =	ssyncadd.s32 $0xFFFF3800  }
0x63: {  	[hbm4b:s0+s4] =	stream.strided.scatter [tilespmem:s12], [sflag:$0x3], $0xC800, s8, s4, $0x38;
	[tilespmem:$0x1F400] =	vst v63  }
0x64: {  	_ =	swait.ge [sflag:s5], $0xC800  }
0x65: {  	[sflag:s5] =	ssyncset.done $0x0  }
0x66: {  	[sflag:s5] =	ssyncadd.s32 $0xFFFF3800  }
0x67: {  	[tilespmem:s10], [sflag:$0x2] =	stream.indirect.gather [hbm4b:s2+s7], $0x20, s21, s7, $0xb8;
	[tilespmem:$0x1F400] =	vst v63  }
0x68: {  	_ =	swait.ge [sflag:s11], $0xC800  }
0x69: {  	[sflag:s11] =	ssyncset.done $0x0  }
0x6a: {  	s0 =	rddreg [dreg:$0xd];
	[sflag:s11] =	ssyncadd.s32 $0xFFFF3800  }
0x6b: {  	[hbm4b:s0+s4] =	stream.strided.scatter [tilespmem:s10], [sflag:$0x4], $0xC800, s8, s4, $0x38;
	[tilespmem:$0x1F400] =	vst v63  }
0x6c: {  	_ =	swait.ge [sflag:s9], $0xC800  }
0x6d: {  	[sflag:s9] =	ssyncset.done $0x0  }
0x6e: {  	[sflag:s9] =	ssyncadd.s32 $0xFFFF3800  }
0x6f: {  	[tilespmem:s12], [sflag:$0x1] =	stream.indirect.gather [hbm4b:s2+s7], $0x20, s20, s7, $0xb8;
	[tilespmem:$0x1F400] =	vst v63  }
0x70: {  	_ =	swait.ge [sflag:s14], $0xC800  }
0x71: {  	[sflag:s14] =	ssyncset.done $0x0  }
0x72: {  	s0 =	rddreg [dreg:$0xe];
	[sflag:s14] =	ssyncadd.s32 $0xFFFF3800  }
0x73: {  	[hbm4b:s0+s4] =	stream.strided.scatter [tilespmem:s12], [sflag:$0x3], $0xC800, s8, s4, $0x38;
	[tilespmem:$0x1F400] =	vst v63  }
0x74: {  	_ =	swait.ge [sflag:s5], $0xC800  }
0x75: {  	[sflag:s5] =	ssyncset.done $0x0  }
0x76: {  	[sflag:s5] =	ssyncadd.s32 $0xFFFF3800  }
0x77: {  	[tilespmem:s10], [sflag:$0x2] =	stream.indirect.gather [hbm4b:s2+s7], $0x20, s19, s7, $0xb8;
	[tilespmem:$0x1F400] =	vst v63  }
0x78: {  	_ =	swait.ge [sflag:s11], $0xC800  }
0x79: {  	[sflag:s11] =	ssyncset.done $0x0  }
0x7a: {  	s0 =	rddreg [dreg:$0xf];
	[sflag:s11] =	ssyncadd.s32 $0xFFFF3800  }
0x7b: {  	[hbm4b:s0+s4] =	stream.strided.scatter [tilespmem:s10], [sflag:$0x4], $0xC800, s8, s4, $0x38;
	[tilespmem:$0x1F400] =	vst v63  }
0x7c: {  	_ =	swait.ge [sflag:s9], $0xC800  }
0x7d: {  	[sflag:s9] =	ssyncset.done $0x0  }
0x7e: {  	[sflag:s9] =	ssyncadd.s32 $0xFFFF3800  }
0x7f: {  	[tilespmem:s12], [sflag:$0x1] =	stream.indirect.gather [hbm4b:s2+s7], $0x20, s18, s7, $0xb8;
	[tilespmem:$0x1F400] =	vst v63  }
0x80: {  	_ =	swait.ge [sflag:s14], $0xC800  }
0x81: {  	[sflag:s14] =	ssyncset.done $0x0  }
0x82: {  	s0 =	rddreg [dreg:$0x10];
	[sflag:s14] =	ssyncadd.s32 $0xFFFF3800  }
0x83: {  	[hbm4b:s0+s4] =	stream.strided.scatter [tilespmem:s12], [sflag:$0x3], $0xC800, s8, s4, $0x38;
	[tilespmem:$0x1F400] =	vst v63  }
0x84: {  	_ =	swait.ge [sflag:s5], $0xC800  }
0x85: {  	[sflag:s5] =	ssyncset.done $0x0  }
0x86: {  	[sflag:s5] =	ssyncadd.s32 $0xFFFF3800  }
0x87: {  	[tilespmem:s10], [sflag:$0x2] =	stream.indirect.gather [hbm4b:s2+s7], $0x20, s17, s7, $0xb8;
	[tilespmem:$0x1F400] =	vst v63  }
0x88: {  	_ =	swait.ge [sflag:s11], $0xC800  }
0x89: {  	[sflag:s11] =	ssyncset.done $0x0  }
0x8a: {  	[sflag:s11] =	ssyncadd.s32 $0xFFFF3800  }
0x8b: {  	[hbm4b:s13+s4] =	stream.strided.scatter [tilespmem:s10], [sflag:$0x4], $0xC800, s8, s4, $0x38;
	[tilespmem:$0x1F400] =	vst v63  }
0x8c: {  	_ =	swait.ge [sflag:s9], $0xC800  }
0x8d: {  	[sflag:s9] =	ssyncset.done $0x0  }
0x8e: {  	[sflag:s9] =	ssyncadd.s32 $0xFFFF3800  }
0x8f: {  	[tilespmem:s12], [sflag:$0x1] =	stream.indirect.gather [hbm4b:s2+s7], $0x20, s16, s7, $0xb8;
	[tilespmem:$0x1F400] =	vst v63  }
0x90: {  	_ =	swait.ge [sflag:s14], $0xC800  }
0x91: {  	[sflag:s14] =	ssyncset.done $0x0  }
0x92: {  	[sflag:s14] =	ssyncadd.s32 $0xFFFF3800  }
0x93: {  	[hbm4b:s6+s4] =	stream.strided.scatter [tilespmem:s12], [sflag:$0x3], $0xC800, s8, s4, $0x38;
	[tilespmem:$0x1F400] =	vst v63  }
0x94: {  	_ =	swait.ge [sflag:s5], $0xC800  }
0x95: {  	[sflag:s5] =	ssyncset.done $0x0  }
0x96: {  	[sflag:s5] =	ssyncadd.s32 $0xFFFF3800  }
0x97: {  	[tilespmem:s10], [sflag:$0x2] =	stream.indirect.gather [hbm4b:s2+s7], $0x20, s15, s7, $0xb8;
	[tilespmem:$0x1F400] =	vst v63  }
0x98: {  	_ =	swait.ge [sflag:s11], $0xC800  }
0x99: {  	[sflag:s11] =	ssyncset.done $0x0  }
0x9a: {  	p1 =	sne.s32 s1, $0x1;
	[sflag:s11] =	ssyncadd.s32 $0xFFFF3800  }
0x9b: {  	[hbm4b:s3+s4] =	stream.strided.scatter [tilespmem:s10], [sflag:$0x4], $0xC800, s8, s4, $0x38;
	[tilespmem:$0x1F400] =	vst v63  }
.Ltmp1:
0x9c: {  	_ =	swait.ge [sflag:s9], $0xC800;
	(pc) =	sbr.rel @!p1 .LBB2_3-.Ltmp1, $4  }
0x9d: {  	[sflag:s9] =	ssyncset.done $0x0  }
0x9e: {  	[sflag:s9] =	ssyncadd.s32 $0xFFFF3800  }
0x9f: {  	s1 =	sadd.s32 $0xFFFFFFFF, s1;
	_ =	swait.ge [sflag:s5], $0xC800  }
0xa0: {  	p0 =	por $0x1, $0x1;
	s0 =	rddreg [dreg:$0x3];
	[sflag:s5] =	ssyncset.done $0x0  }
.LBB2_2:
0xa1: {  	[sflag:s5] =	ssyncadd.s32 $0xFFFF3800  }
0xa2: {  	[tilespmem:s23], [sflag:$0x5] =	stream.linear.gather [hbm4b:s0+s23], $0x6400, $0x38;
	[tilespmem:$0x1F400] =	vst v63  }
0xa3: {  	_ =	swait.ge [sflag:s31], $0x6400  }
0xa4: {  	[sflag:s31] =	ssyncset.done $0x0  }
0xa5: {  	[sflag:s31] =	ssyncadd.s32 $0xFFFF9C00  }
0xa6: {  	[tilespmem:s12], [sflag:$0x1] =	stream.indirect.gather [hbm4b:s2+s7], $0x20, s23, s7, $0xb8;
	[tilespmem:$0x1F400] =	vst v63  }
0xa7: {  	_ =	swait.ge [sflag:s14], $0xC800  }
0xa8: {  	[sflag:s14] =	ssyncset.done $0x0  }
0xa9: {  	s0 =	rddreg [dreg:$0x4];
	[sflag:s14] =	ssyncadd.s32 $0xFFFF3800  }
0xaa: {  	[hbm4b:s0+s4] =	stream.strided.scatter [tilespmem:s12], [sflag:$0x3], $0xC800, s8, s4, $0x38;
	[tilespmem:$0x1F400] =	vst v63  }
0xab: {  	_ = 	snop  }
0xac: {  	[tilespmem:s10], [sflag:$0x2] =	stream.indirect.gather [hbm4b:s2+s7], $0x20, s7, s7, $0xb8;
	[tilespmem:$0x1F400] =	vst v63  }
0xad: {  	_ =	swait.ge [sflag:s11], $0xC800  }
0xae: {  	[sflag:s11] =	ssyncset.done $0x0  }
0xaf: {  	s0 =	rddreg [dreg:$0x5];
	[sflag:s11] =	ssyncadd.s32 $0xFFFF3800  }
0xb0: {  	[hbm4b:s0+s4] =	stream.strided.scatter [tilespmem:s10], [sflag:$0x4], $0xC800, s8, s4, $0x38;
	[tilespmem:$0x1F400] =	vst v63  }
0xb1: {  	_ =	swait.ge [sflag:s9], $0xC800  }
0xb2: {  	[sflag:s9] =	ssyncset.done $0x0  }
0xb3: {  	[sflag:s9] =	ssyncadd.s32 $0xFFFF3800  }
0xb4: {  	[tilespmem:s12], [sflag:$0x1] =	stream.indirect.gather [hbm4b:s2+s7], $0x20, s30, s7, $0xb8;
	[tilespmem:$0x1F400] =	vst v63  }
0xb5: {  	_ =	swait.ge [sflag:s14], $0xC800  }
0xb6: {  	[sflag:s14] =	ssyncset.done $0x0  }
0xb7: {  	s0 =	rddreg [dreg:$0x6];
	[sflag:s14] =	ssyncadd.s32 $0xFFFF3800  }
0xb8: {  	[hbm4b:s0+s4] =	stream.strided.scatter [tilespmem:s12], [sflag:$0x3], $0xC800, s8, s4, $0x38;
	[tilespmem:$0x1F400] =	vst v63  }
0xb9: {  	_ =	swait.ge [sflag:s5], $0xC800  }
0xba: {  	[sflag:s5] =	ssyncset.done $0x0  }
0xbb: {  	[sflag:s5] =	ssyncadd.s32 $0xFFFF3800  }
0xbc: {  	[tilespmem:s10], [sflag:$0x2] =	stream.indirect.gather [hbm4b:s2+s7], $0x20, s29, s7, $0xb8;
	[tilespmem:$0x1F400] =	vst v63  }
0xbd: {  	_ =	swait.ge [sflag:s11], $0xC800  }
0xbe: {  	[sflag:s11] =	ssyncset.done $0x0  }
0xbf: {  	s0 =	rddreg [dreg:$0x7];
	[sflag:s11] =	ssyncadd.s32 $0xFFFF3800  }
0xc0: {  	[hbm4b:s0+s4] =	stream.strided.scatter [tilespmem:s10], [sflag:$0x4], $0xC800, s8, s4, $0x38;
	[tilespmem:$0x1F400] =	vst v63  }
0xc1: {  	_ =	swait.ge [sflag:s9], $0xC800  }
0xc2: {  	[sflag:s9] =	ssyncset.done $0x0  }
0xc3: {  	[sflag:s9] =	ssyncadd.s32 $0xFFFF3800  }
0xc4: {  	[tilespmem:s12], [sflag:$0x1] =	stream.indirect.gather [hbm4b:s2+s7], $0x20, s28, s7, $0xb8;
	[tilespmem:$0x1F400] =	vst v63  }
0xc5: {  	_ =	swait.ge [sflag:s14], $0xC800  }
0xc6: {  	[sflag:s14] =	ssyncset.done $0x0  }
0xc7: {  	s0 =	rddreg [dreg:$0x8];
	[sflag:s14] =	ssyncadd.s32 $0xFFFF3800  }
0xc8: {  	[hbm4b:s0+s4] =	stream.strided.scatter [tilespmem:s12], [sflag:$0x3], $0xC800, s8, s4, $0x38;
	[tilespmem:$0x1F400] =	vst v63  }
0xc9: {  	_ =	swait.ge [sflag:s5], $0xC800  }
0xca: {  	[sflag:s5] =	ssyncset.done $0x0  }
0xcb: {  	[sflag:s5] =	ssyncadd.s32 $0xFFFF3800  }
0xcc: {  	[tilespmem:s10], [sflag:$0x2] =	stream.indirect.gather [hbm4b:s2+s7], $0x20, s26, s7, $0xb8;
	[tilespmem:$0x1F400] =	vst v63  }
0xcd: {  	_ =	swait.ge [sflag:s11], $0xC800  }
0xce: {  	[sflag:s11] =	ssyncset.done $0x0  }
0xcf: {  	s0 =	rddreg [dreg:$0x9];
	[sflag:s11] =	ssyncadd.s32 $0xFFFF3800  }
0xd0: {  	[hbm4b:s0+s4] =	stream.strided.scatter [tilespmem:s10], [sflag:$0x4], $0xC800, s8, s4, $0x38;
	[tilespmem:$0x1F400] =	vst v63  }
0xd1: {  	_ =	swait.ge [sflag:s9], $0xC800  }
0xd2: {  	[sflag:s9] =	ssyncset.done $0x0  }
0xd3: {  	[sflag:s9] =	ssyncadd.s32 $0xFFFF3800  }
0xd4: {  	[tilespmem:s12], [sflag:$0x1] =	stream.indirect.gather [hbm4b:s2+s7], $0x20, s25, s7, $0xb8;
	[tilespmem:$0x1F400] =	vst v63  }
0xd5: {  	_ =	swait.ge [sflag:s14], $0xC800  }
0xd6: {  	[sflag:s14] =	ssyncset.done $0x0  }
0xd7: {  	s0 =	rddreg [dreg:$0xa];
	[sflag:s14] =	ssyncadd.s32 $0xFFFF3800  }
0xd8: {  	[hbm4b:s0+s4] =	stream.strided.scatter [tilespmem:s12], [sflag:$0x3], $0xC800, s8, s4, $0x38;
	[tilespmem:$0x1F400] =	vst v63  }
0xd9: {  	_ =	swait.ge [sflag:s5], $0xC800  }
0xda: {  	[sflag:s5] =	ssyncset.done $0x0  }
0xdb: {  	[sflag:s5] =	ssyncadd.s32 $0xFFFF3800  }
0xdc: {  	[tilespmem:s10], [sflag:$0x2] =	stream.indirect.gather [hbm4b:s2+s7], $0x20, s24, s7, $0xb8;
	[tilespmem:$0x1F400] =	vst v63  }
0xdd: {  	_ =	swait.ge [sflag:s11], $0xC800  }
0xde: {  	[sflag:s11] =	ssyncset.done $0x0  }
0xdf: {  	s0 =	rddreg [dreg:$0xb];
	[sflag:s11] =	ssyncadd.s32 $0xFFFF3800  }
0xe0: {  	[hbm4b:s0+s4] =	stream.strided.scatter [tilespmem:s10], [sflag:$0x4], $0xC800, s8, s4, $0x38;
	[tilespmem:$0x1F400] =	vst v63  }
0xe1: {  	_ =	swait.ge [sflag:s9], $0xC800  }
0xe2: {  	[sflag:s9] =	ssyncset.done $0x0  }
0xe3: {  	[sflag:s9] =	ssyncadd.s32 $0xFFFF3800  }
0xe4: {  	[tilespmem:s12], [sflag:$0x1] =	stream.indirect.gather [hbm4b:s2+s7], $0x20, s22, s7, $0xb8;
	[tilespmem:$0x1F400] =	vst v63  }
0xe5: {  	_ =	swait.ge [sflag:s14], $0xC800  }
0xe6: {  	[sflag:s14] =	ssyncset.done $0x0  }
0xe7: {  	s0 =	rddreg [dreg:$0xc];
	[sflag:s14] =	ssyncadd.s32 $0xFFFF3800  }
0xe8: {  	[hbm4b:s0+s4] =	stream.strided.scatter [tilespmem:s12], [sflag:$0x3], $0xC800, s8, s4, $0x38;
	[tilespmem:$0x1F400] =	vst v63  }
0xe9: {  	_ =	swait.ge [sflag:s5], $0xC800  }
0xea: {  	[sflag:s5] =	ssyncset.done $0x0  }
0xeb: {  	[sflag:s5] =	ssyncadd.s32 $0xFFFF3800  }
0xec: {  	[tilespmem:s10], [sflag:$0x2] =	stream.indirect.gather [hbm4b:s2+s7], $0x20, s21, s7, $0xb8;
	[tilespmem:$0x1F400] =	vst v63  }
0xed: {  	_ =	swait.ge [sflag:s11], $0xC800  }
0xee: {  	[sflag:s11] =	ssyncset.done $0x0  }
0xef: {  	s0 =	rddreg [dreg:$0xd];
	[sflag:s11] =	ssyncadd.s32 $0xFFFF3800  }
0xf0: {  	[hbm4b:s0+s4] =	stream.strided.scatter [tilespmem:s10], [sflag:$0x4], $0xC800, s8, s4, $0x38;
	[tilespmem:$0x1F400] =	vst v63  }
0xf1: {  	_ =	swait.ge [sflag:s9], $0xC800  }
0xf2: {  	[sflag:s9] =	ssyncset.done $0x0  }
0xf3: {  	[sflag:s9] =	ssyncadd.s32 $0xFFFF3800  }
0xf4: {  	[tilespmem:s12], [sflag:$0x1] =	stream.indirect.gather [hbm4b:s2+s7], $0x20, s20, s7, $0xb8;
	[tilespmem:$0x1F400] =	vst v63  }
0xf5: {  	_ =	swait.ge [sflag:s14], $0xC800  }
0xf6: {  	[sflag:s14] =	ssyncset.done $0x0  }
0xf7: {  	s0 =	rddreg [dreg:$0xe];
	[sflag:s14] =	ssyncadd.s32 $0xFFFF3800  }
0xf8: {  	[hbm4b:s0+s4] =	stream.strided.scatter [tilespmem:s12], [sflag:$0x3], $0xC800, s8, s4, $0x38;
	[tilespmem:$0x1F400] =	vst v63  }
0xf9: {  	_ =	swait.ge [sflag:s5], $0xC800  }
0xfa: {  	[sflag:s5] =	ssyncset.done $0x0  }
0xfb: {  	[sflag:s5] =	ssyncadd.s32 $0xFFFF3800  }
0xfc: {  	[tilespmem:s10], [sflag:$0x2] =	stream.indirect.gather [hbm4b:s2+s7], $0x20, s19, s7, $0xb8;
	[tilespmem:$0x1F400] =	vst v63  }
0xfd: {  	_ =	swait.ge [sflag:s11], $0xC800  }
0xfe: {  	[sflag:s11] =	ssyncset.done $0x0  }
0xff: {  	s0 =	rddreg [dreg:$0xf];
	[sflag:s11] =	ssyncadd.s32 $0xFFFF3800  }
0x100: {  	[hbm4b:s0+s4] =	stream.strided.scatter [tilespmem:s10], [sflag:$0x4], $0xC800, s8, s4, $0x38;
	[tilespmem:$0x1F400] =	vst v63  }
0x101: {  	_ =	swait.ge [sflag:s9], $0xC800  }
0x102: {  	[sflag:s9] =	ssyncset.done $0x0  }
0x103: {  	[sflag:s9] =	ssyncadd.s32 $0xFFFF3800  }
0x104: {  	[tilespmem:s12], [sflag:$0x1] =	stream.indirect.gather [hbm4b:s2+s7], $0x20, s18, s7, $0xb8;
	[tilespmem:$0x1F400] =	vst v63  }
0x105: {  	_ =	swait.ge [sflag:s14], $0xC800  }
0x106: {  	[sflag:s14] =	ssyncset.done $0x0  }
0x107: {  	s0 =	rddreg [dreg:$0x10];
	[sflag:s14] =	ssyncadd.s32 $0xFFFF3800  }
0x108: {  	[hbm4b:s0+s4] =	stream.strided.scatter [tilespmem:s12], [sflag:$0x3], $0xC800, s8, s4, $0x38;
	[tilespmem:$0x1F400] =	vst v63  }
0x109: {  	_ =	swait.ge [sflag:s5], $0xC800  }
0x10a: {  	[sflag:s5] =	ssyncset.done $0x0  }
0x10b: {  	[sflag:s5] =	ssyncadd.s32 $0xFFFF3800  }
0x10c: {  	[tilespmem:s10], [sflag:$0x2] =	stream.indirect.gather [hbm4b:s2+s7], $0x20, s17, s7, $0xb8;
	[tilespmem:$0x1F400] =	vst v63  }
0x10d: {  	_ =	swait.ge [sflag:s11], $0xC800  }
0x10e: {  	[sflag:s11] =	ssyncset.done $0x0  }
0x10f: {  	[sflag:s11] =	ssyncadd.s32 $0xFFFF3800  }
0x110: {  	[hbm4b:s13+s4] =	stream.strided.scatter [tilespmem:s10], [sflag:$0x4], $0xC800, s8, s4, $0x38;
	[tilespmem:$0x1F400] =	vst v63  }
0x111: {  	_ =	swait.ge [sflag:s9], $0xC800  }
0x112: {  	[sflag:s9] =	ssyncset.done $0x0  }
0x113: {  	[sflag:s9] =	ssyncadd.s32 $0xFFFF3800  }
0x114: {  	[tilespmem:s12], [sflag:$0x1] =	stream.indirect.gather [hbm4b:s2+s7], $0x20, s16, s7, $0xb8;
	[tilespmem:$0x1F400] =	vst v63  }
0x115: {  	_ =	swait.ge [sflag:s14], $0xC800  }
0x116: {  	[sflag:s14] =	ssyncset.done $0x0  }
0x117: {  	[sflag:s14] =	ssyncadd.s32 $0xFFFF3800  }
0x118: {  	[hbm4b:s6+s4] =	stream.strided.scatter [tilespmem:s12], [sflag:$0x3], $0xC800, s8, s4, $0x38;
	[tilespmem:$0x1F400] =	vst v63  }
0x119: {  	_ =	swait.ge [sflag:s5], $0xC800  }
0x11a: {  	[sflag:s5] =	ssyncset.done $0x0  }
0x11b: {  	[sflag:s5] =	ssyncadd.s32 $0xFFFF3800  }
0x11c: {  	[tilespmem:s10], [sflag:$0x2] =	stream.indirect.gather [hbm4b:s2+s7], $0x20, s15, s7, $0xb8;
	[tilespmem:$0x1F400] =	vst v63  }
0x11d: {  	_ =	swait.ge [sflag:s11], $0xC800  }
0x11e: {  	[sflag:s11] =	ssyncset.done $0x0  }
0x11f: {  	p1 =	sne.s32 s1, $0x1;
	[sflag:s11] =	ssyncadd.s32 $0xFFFF3800  }
0x120: {  	[hbm4b:s3+s4] =	stream.strided.scatter [tilespmem:s10], [sflag:$0x4], $0xC800, s8, s4, $0x38;
	[tilespmem:$0x1F400] =	vst v63  }
.Ltmp2:
0x121: {  	_ =	swait.ge [sflag:s9], $0xC800;
	(pc) =	sbr.rel @p1 .LBB2_2-.Ltmp2, $4  }
0x122: {  	[sflag:s9] =	ssyncset.done $0x0  }
0x123: {  	[sflag:s9] =	ssyncadd.s32 $0xFFFF3800  }
0x124: {  	_ =	swait.ge [sflag:s5], $0xC800  }
0x125: {  	s1 =	sadd.s32 $0xFFFFFFFF, s1;
	s0 =	rddreg [dreg:$0x3];
	[sflag:s5] =	ssyncset.done $0x0  }
.LBB2_3:
0x126: {  	[sflag:s5] =	ssyncadd.s32 @p0 $0xFFFF3800  }
0x127: {  	[tilespmem:s23], [sflag:$0x5] =	stream.linear.gather [hbm4b:s0+s23], $0x6400, $0x38;
	[tilespmem:$0x1F400] =	vst v63  }
0x128: {  	_ =	swait.ge [sflag:s31], $0x6400  }
0x129: {  	[sflag:s31] =	ssyncset.done $0x0  }
0x12a: {  	[sflag:s31] =	ssyncadd.s32 $0xFFFF9C00  }
0x12b: {  	[tilespmem:s12], [sflag:$0x1] =	stream.indirect.gather [hbm4b:s2+s7], $0x20, s23, s7, $0xb8;
	[tilespmem:$0x1F400] =	vst v63  }
0x12c: {  	_ =	swait.ge [sflag:s14], $0xC800  }
0x12d: {  	[sflag:s14] =	ssyncset.done $0x0  }
0x12e: {  	s31 =	rddreg [dreg:$0x4];
	[sflag:s14] =	ssyncadd.s32 $0xFFFF3800  }
0x12f: {  	[hbm4b:s31+s4] =	stream.strided.scatter [tilespmem:s12], [sflag:$0x3], $0xC800, s8, s4, $0x38;
	[tilespmem:$0x1F400] =	vst v63  }
0x130: {  	_ = 	snop  }
0x131: {  	[tilespmem:s10], [sflag:$0x2] =	stream.indirect.gather [hbm4b:s2+s7], $0x20, s7, s7, $0xb8;
	[tilespmem:$0x1F400] =	vst v63  }
0x132: {  	_ =	swait.ge [sflag:s11], $0xC800  }
0x133: {  	[sflag:s11] =	ssyncset.done $0x0  }
0x134: {  	s1 =	rddreg [dreg:$0x5];
	[sflag:s11] =	ssyncadd.s32 $0xFFFF3800  }
0x135: {  	[hbm4b:s1+s4] =	stream.strided.scatter [tilespmem:s10], [sflag:$0x4], $0xC800, s8, s4, $0x38;
	[tilespmem:$0x1F400] =	vst v63  }
0x136: {  	_ =	swait.ge [sflag:s9], $0xC800  }
0x137: {  	[sflag:s9] =	ssyncset.done $0x0  }
0x138: {  	[sflag:s9] =	ssyncadd.s32 $0xFFFF3800  }
0x139: {  	[tilespmem:s12], [sflag:$0x1] =	stream.indirect.gather [hbm4b:s2+s7], $0x20, s30, s7, $0xb8;
	[tilespmem:$0x1F400] =	vst v63  }
0x13a: {  	_ =	swait.ge [sflag:s14], $0xC800  }
0x13b: {  	[sflag:s14] =	ssyncset.done $0x0  }
0x13c: {  	s23 =	rddreg [dreg:$0x6];
	[sflag:s14] =	ssyncadd.s32 $0xFFFF3800  }
0x13d: {  	[hbm4b:s23+s4] =	stream.strided.scatter [tilespmem:s12], [sflag:$0x3], $0xC800, s8, s4, $0x38;
	[tilespmem:$0x1F400] =	vst v63  }
0x13e: {  	_ =	swait.ge [sflag:s5], $0xC800  }
0x13f: {  	[sflag:s5] =	ssyncset.done $0x0  }
0x140: {  	[sflag:s5] =	ssyncadd.s32 $0xFFFF3800  }
0x141: {  	[tilespmem:s10], [sflag:$0x2] =	stream.indirect.gather [hbm4b:s2+s7], $0x20, s29, s7, $0xb8;
	[tilespmem:$0x1F400] =	vst v63  }
0x142: {  	_ =	swait.ge [sflag:s11], $0xC800  }
0x143: {  	[sflag:s11] =	ssyncset.done $0x0  }
0x144: {  	s30 =	rddreg [dreg:$0x7];
	[sflag:s11] =	ssyncadd.s32 $0xFFFF3800  }
0x145: {  	[hbm4b:s30+s4] =	stream.strided.scatter [tilespmem:s10], [sflag:$0x4], $0xC800, s8, s4, $0x38;
	[tilespmem:$0x1F400] =	vst v63  }
0x146: {  	_ =	swait.ge [sflag:s9], $0xC800  }
0x147: {  	[sflag:s9] =	ssyncset.done $0x0  }
0x148: {  	[sflag:s9] =	ssyncadd.s32 $0xFFFF3800  }
0x149: {  	[tilespmem:s12], [sflag:$0x1] =	stream.indirect.gather [hbm4b:s2+s7], $0x20, s28, s7, $0xb8;
	[tilespmem:$0x1F400] =	vst v63  }
0x14a: {  	_ =	swait.ge [sflag:s14], $0xC800  }
0x14b: {  	[sflag:s14] =	ssyncset.done $0x0  }
0x14c: {  	s31 =	rddreg [dreg:$0x8];
	[sflag:s14] =	ssyncadd.s32 $0xFFFF3800  }
0x14d: {  	[hbm4b:s31+s4] =	stream.strided.scatter [tilespmem:s12], [sflag:$0x3], $0xC800, s8, s4, $0x38;
	[tilespmem:$0x1F400] =	vst v63  }
0x14e: {  	_ =	swait.ge [sflag:s5], $0xC800  }
0x14f: {  	[sflag:s5] =	ssyncset.done $0x0  }
0x150: {  	[sflag:s5] =	ssyncadd.s32 $0xFFFF3800  }
0x151: {  	[tilespmem:s10], [sflag:$0x2] =	stream.indirect.gather [hbm4b:s2+s7], $0x20, s26, s7, $0xb8;
	[tilespmem:$0x1F400] =	vst v63  }
0x152: {  	_ =	swait.ge [sflag:s11], $0xC800  }
0x153: {  	[sflag:s11] =	ssyncset.done $0x0  }
0x154: {  	s1 =	rddreg [dreg:$0x9];
	[sflag:s11] =	ssyncadd.s32 $0xFFFF3800  }
0x155: {  	[hbm4b:s1+s4] =	stream.strided.scatter [tilespmem:s10], [sflag:$0x4], $0xC800, s8, s4, $0x38;
	[tilespmem:$0x1F400] =	vst v63  }
0x156: {  	_ =	swait.ge [sflag:s9], $0xC800  }
0x157: {  	[sflag:s9] =	ssyncset.done $0x0  }
0x158: {  	[sflag:s9] =	ssyncadd.s32 $0xFFFF3800  }
0x159: {  	[tilespmem:s12], [sflag:$0x1] =	stream.indirect.gather [hbm4b:s2+s7], $0x20, s25, s7, $0xb8;
	[tilespmem:$0x1F400] =	vst v63  }
0x15a: {  	_ =	swait.ge [sflag:s14], $0xC800  }
0x15b: {  	[sflag:s14] =	ssyncset.done $0x0  }
0x15c: {  	s23 =	rddreg [dreg:$0xa];
	[sflag:s14] =	ssyncadd.s32 $0xFFFF3800  }
0x15d: {  	[hbm4b:s23+s4] =	stream.strided.scatter [tilespmem:s12], [sflag:$0x3], $0xC800, s8, s4, $0x38;
	[tilespmem:$0x1F400] =	vst v63  }
0x15e: {  	_ =	swait.ge [sflag:s5], $0xC800  }
0x15f: {  	[sflag:s5] =	ssyncset.done $0x0  }
0x160: {  	[sflag:s5] =	ssyncadd.s32 $0xFFFF3800  }
0x161: {  	[tilespmem:s10], [sflag:$0x2] =	stream.indirect.gather [hbm4b:s2+s7], $0x20, s24, s7, $0xb8;
	[tilespmem:$0x1F400] =	vst v63  }
0x162: {  	_ =	swait.ge [sflag:s11], $0xC800  }
0x163: {  	[sflag:s11] =	ssyncset.done $0x0  }
0x164: {  	s24 =	rddreg [dreg:$0xb];
	[sflag:s11] =	ssyncadd.s32 $0xFFFF3800  }
0x165: {  	[hbm4b:s24+s4] =	stream.strided.scatter [tilespmem:s10], [sflag:$0x4], $0xC800, s8, s4, $0x38;
	[tilespmem:$0x1F400] =	vst v63  }
0x166: {  	_ =	swait.ge [sflag:s9], $0xC800  }
0x167: {  	[sflag:s9] =	ssyncset.done $0x0  }
0x168: {  	[sflag:s9] =	ssyncadd.s32 $0xFFFF3800  }
0x169: {  	[tilespmem:s12], [sflag:$0x1] =	stream.indirect.gather [hbm4b:s2+s7], $0x20, s22, s7, $0xb8;
	[tilespmem:$0x1F400] =	vst v63  }
0x16a: {  	_ =	swait.ge [sflag:s14], $0xC800  }
0x16b: {  	[sflag:s14] =	ssyncset.done $0x0  }
0x16c: {  	s25 =	rddreg [dreg:$0xc];
	[sflag:s14] =	ssyncadd.s32 $0xFFFF3800  }
0x16d: {  	[hbm4b:s25+s4] =	stream.strided.scatter [tilespmem:s12], [sflag:$0x3], $0xC800, s8, s4, $0x38;
	[tilespmem:$0x1F400] =	vst v63  }
0x16e: {  	_ =	swait.ge [sflag:s5], $0xC800  }
0x16f: {  	[sflag:s5] =	ssyncset.done $0x0  }
0x170: {  	[sflag:s5] =	ssyncadd.s32 $0xFFFF3800  }
0x171: {  	[tilespmem:s10], [sflag:$0x2] =	stream.indirect.gather [hbm4b:s2+s7], $0x20, s21, s7, $0xb8;
	[tilespmem:$0x1F400] =	vst v63  }
0x172: {  	_ =	swait.ge [sflag:s11], $0xC800  }
0x173: {  	[sflag:s11] =	ssyncset.done $0x0  }
0x174: {  	s26 =	rddreg [dreg:$0xd];
	[sflag:s11] =	ssyncadd.s32 $0xFFFF3800  }
0x175: {  	[hbm4b:s26+s4] =	stream.strided.scatter [tilespmem:s10], [sflag:$0x4], $0xC800, s8, s4, $0x38;
	[tilespmem:$0x1F400] =	vst v63  }
0x176: {  	_ =	swait.ge [sflag:s9], $0xC800  }
0x177: {  	[sflag:s9] =	ssyncset.done $0x0  }
0x178: {  	[sflag:s9] =	ssyncadd.s32 $0xFFFF3800  }
0x179: {  	[tilespmem:s12], [sflag:$0x1] =	stream.indirect.gather [hbm4b:s2+s7], $0x20, s20, s7, $0xb8;
	[tilespmem:$0x1F400] =	vst v63  }
0x17a: {  	_ =	swait.ge [sflag:s14], $0xC800  }
0x17b: {  	[sflag:s14] =	ssyncset.done $0x0  }
0x17c: {  	s28 =	rddreg [dreg:$0xe];
	[sflag:s14] =	ssyncadd.s32 $0xFFFF3800  }
0x17d: {  	[hbm4b:s28+s4] =	stream.strided.scatter [tilespmem:s12], [sflag:$0x3], $0xC800, s8, s4, $0x38;
	[tilespmem:$0x1F400] =	vst v63  }
0x17e: {  	_ =	swait.ge [sflag:s5], $0xC800  }
0x17f: {  	[sflag:s5] =	ssyncset.done $0x0  }
0x180: {  	[sflag:s5] =	ssyncadd.s32 $0xFFFF3800  }
0x181: {  	[tilespmem:s10], [sflag:$0x2] =	stream.indirect.gather [hbm4b:s2+s7], $0x20, s19, s7, $0xb8;
	[tilespmem:$0x1F400] =	vst v63  }
0x182: {  	_ =	swait.ge [sflag:s11], $0xC800  }
0x183: {  	[sflag:s11] =	ssyncset.done $0x0  }
0x184: {  	s29 =	rddreg [dreg:$0xf];
	[sflag:s11] =	ssyncadd.s32 $0xFFFF3800  }
0x185: {  	[hbm4b:s29+s4] =	stream.strided.scatter [tilespmem:s10], [sflag:$0x4], $0xC800, s8, s4, $0x38;
	[tilespmem:$0x1F400] =	vst v63  }
0x186: {  	_ =	swait.ge [sflag:s9], $0xC800  }
0x187: {  	[sflag:s9] =	ssyncset.done $0x0  }
0x188: {  	[sflag:s9] =	ssyncadd.s32 $0xFFFF3800  }
0x189: {  	[tilespmem:s12], [sflag:$0x1] =	stream.indirect.gather [hbm4b:s2+s7], $0x20, s18, s7, $0xb8;
	[tilespmem:$0x1F400] =	vst v63  }
0x18a: {  	_ =	swait.ge [sflag:s14], $0xC800  }
0x18b: {  	[sflag:s14] =	ssyncset.done $0x0  }
0x18c: {  	s30 =	rddreg [dreg:$0x10];
	[sflag:s14] =	ssyncadd.s32 $0xFFFF3800  }
0x18d: {  	[hbm4b:s30+s4] =	stream.strided.scatter [tilespmem:s12], [sflag:$0x3], $0xC800, s8, s4, $0x38;
	[tilespmem:$0x1F400] =	vst v63  }
0x18e: {  	_ =	swait.ge [sflag:s5], $0xC800  }
0x18f: {  	[sflag:s5] =	ssyncset.done $0x0  }
0x190: {  	[sflag:s5] =	ssyncadd.s32 $0xFFFF3800  }
0x191: {  	[tilespmem:s10], [sflag:$0x2] =	stream.indirect.gather [hbm4b:s2+s7], $0x20, s17, s7, $0xb8;
	[tilespmem:$0x1F400] =	vst v63  }
0x192: {  	_ =	swait.ge [sflag:s11], $0xC800  }
0x193: {  	[sflag:s11] =	ssyncset.done $0x0  }
0x194: {  	[sflag:s11] =	ssyncadd.s32 $0xFFFF3800  }
0x195: {  	[hbm4b:s13+s4] =	stream.strided.scatter [tilespmem:s10], [sflag:$0x4], $0xC800, s8, s4, $0x38;
	[tilespmem:$0x1F400] =	vst v63  }
0x196: {  	_ =	swait.ge [sflag:s9], $0xC800  }
0x197: {  	[sflag:s9] =	ssyncset.done $0x0  }
0x198: {  	[sflag:s9] =	ssyncadd.s32 $0xFFFF3800  }
0x199: {  	[tilespmem:s12], [sflag:$0x1] =	stream.indirect.gather [hbm4b:s2+s7], $0x20, s16, s7, $0xb8;
	[tilespmem:$0x1F400] =	vst v63  }
0x19a: {  	_ =	swait.ge [sflag:s14], $0xC800  }
0x19b: {  	[sflag:s14] =	ssyncset.done $0x0  }
0x19c: {  	[sflag:s14] =	ssyncadd.s32 $0xFFFF3800  }
0x19d: {  	[hbm4b:s6+s4] =	stream.strided.scatter [tilespmem:s12], [sflag:$0x3], $0xC800, s8, s4, $0x38;
	[tilespmem:$0x1F400] =	vst v63  }
0x19e: {  	_ =	swait.ge [sflag:s5], $0xC800  }
0x19f: {  	[sflag:s5] =	ssyncset.done $0x0  }
0x1a0: {  	[sflag:s5] =	ssyncadd.s32 $0xFFFF3800  }
0x1a1: {  	[tilespmem:s10], [sflag:$0x2] =	stream.indirect.gather [hbm4b:s2+s7], $0x20, s15, s7, $0xb8;
	[tilespmem:$0x1F400] =	vst v63  }
0x1a2: {  	_ =	swait.ge [sflag:s11], $0xC800  }
0x1a3: {  	[sflag:s11] =	ssyncset.done $0x0  }
0x1a4: {  	[sflag:s11] =	ssyncadd.s32 $0xFFFF3800  }
0x1a5: {  	[hbm4b:s3+s4] =	stream.strided.scatter [tilespmem:s10], [sflag:$0x4], $0xC800, s8, s4, $0x38;
	[tilespmem:$0x1F400] =	vst v63  }
0x1a6: {  	_ =	swait.ge [sflag:s9], $0xC800  }
0x1a7: {  	[sflag:s9] =	ssyncset.done $0x0  }
0x1a8: {  	[sflag:s9] =	ssyncadd.s32 $0xFFFF3800  }
0x1a9: {  	_ =	swait.ge [sflag:s5], $0xC800  }
0x1aa: {  	[sflag:s5] =	ssyncset.done $0x0  }
0x1ab: {  	[sflag:s5] =	ssyncadd.s32 $0xFFFF3800  }
0x1ac: {  	_ =	sfence.sel $0x180000  }
0x1ad: {  	[bflag:$0x0] =	sbarrier.arrive $0xFFFF  }
0x1ae: {  	_ =	strace $0x90000047  }
0x1af: {  	s31 =	stileid.u32;
	[bflag:$0x2] =	sbarrier.arrive $0xFFFF  }
0x1b0: {  	p0 =	sne.s32 s31, $0x0;
	s0 =	rddreg [dreg:$0x2]  }
0x1b1: {  	s0 =	sadd.s32 @!p0 $0x100000, s0  }
0x1b2: {  	[sflag:s0] =	ssyncadd.tile.s32 @!p0 $0x1;
	_ =	shalt  }
.Lfunc_end2:
_tile_overlayer_lowered:
.L_overlay_start_2:
0x1b3: {  	(tag) =	ssettag $0x2  }
0x1b4: {  	s0 =	rddreg [dreg:$0x0];
	s2 =	stileid.u32  }
0x1b5: {  	s1 =	rddreg [dreg:$0x1];
	p0 =	sne.s32 s2, $0x0  }
0x1b6: {  	s3 =	rddreg [dreg:$0x2];
	[bflag:$0x3] =	sbarrier.arrive $0xFFFF;
	s2 =	simm.s32 @!p0 $0x1C05  }
0x1b7: {  	[timem:s3], [sflag:s2] =	dma.local @!p0 [hbm:s0], s1  }
0x1b8: {  	s0 =	simm.s32 @!p0 $0x5  }
0x1b9: {  	_ =	swait.ge @!p0 [sflag:s0], s1  }
0x1ba: {  	s1 =	ssub.s32 @!p0 $0x0, s1;
	[sflag:s0] =	ssyncset.done @!p0 $0x0  }
0x1bb: {  	[sflag:s0] =	ssyncadd.s32 @!p0 s1  }
0x1bc: {  	[bflag:$0x3] =	sbarrier.arrive $0xFFFF  }
0x1bd: {  	_ =	shalt  }

// kernel: sparse-core-data-format-call.cloned.1.call-start
scs
called_computation_lowered:
.L_overlay_start_0:
0x0: {  	s2 =	sld [smem:$0x3FD9]  }
0x1: {  	s3 =	sld [smem:$0x3FFE];
	_ =	sdelay $0x1  }
0x2: {  	s1 =	srdreg.scid  }
0x3: {  	s0 =	sand.u32 $0x1, s1  }
0x4: {  	s18 =	sshll.u32 s0, $0xA;
	s2 =	sadd.s32 s3, s2  }
0x5: {  	s2 =	sadd.s32 s2, s18  }
0x6: {  	[smem:$0x3FC6] =	sst s2  }
0x7: {  	_ = 	snop  }
0x8: {  	s2 =	sld [smem:$0x3FD0];
	(tm) =	ssettm $0x1  }
0x9: {  	s19 =	sld [smem:$0x3FFB];
	_ =	sdelay $0x3  }
0xa: {  	_ =	strace s19  }
0xb: {  	s3 =	sld [smem:$0x3FFC];
	_ =	sdelay $0x3  }
0xc: {  	_ =	strace s3  }
0xd: {  	s3 =	sld [smem:$0x3FFD];
	_ =	sdelay $0x3  }
0xe: {  	_ =	strace s3  }
0xf: {  	_ =	strace $0x8FFFFFFF  }
0x10: {  	s20 =	sld [smem:$0x3FDB];
	_ =	sdelay $0x1  }
0x11: {  	s4 =	simm.s32 $_scs_section_size  }
0x12: {  	s5 =	simm.s32 $_size__tile_overlayer_lowered;
	s6 =	simm.s32 $_tile_overlayer_lowered  }
0x13: {  	s23 =	simm.s32 $0x1BFF;
	s22 =	sshll.u32 s6, $0x1;
	s3 =	sadd.s32 s4, s20  }
0x14: {  	s7 =	simm.s32 $0x0;
	s21 =	sshll.u32 s5, $0x1;
	s5 =	sadd.s32 s22, s3  }
0x15: {  	[timem:s7], [sflag:s23] =	dma.local [hbm:s5], s21  }
0x16: {  	_ =	swait.ge [sflag:s23], s21  }
0x17: {  	s4 =	ssub.s32 $0x0, s21;
	[sflag:s23] =	ssyncset.done $0x0  }
0x18: {  	[sflag:s23] =	ssyncadd.s32 s4;
	_ =	sdelay $0x1  }
0x19: {  	s24 =	simm.s32 $0x1B8B  }
0x1a: {  	_ =	swait.ge [sflag:s24], $0x1  }
0x1b: {  	[sflag:s24] =	ssyncset.done $0x0  }
0x1c: {  	s26 =	simm.s32 $0x1B8E;
	s25 =	sld [smem:$0x3FFE];
	[sflag:s24] =	ssyncadd.s32 $0xFFFFFFFF  }
0x1d: {  	s27 =	simm.s32 $execute0_lowered;
	[smem:$0x3FD2] =	sst s26  }
0x1e: {  	s5 =	sshll.u32 s27, $0x1;
	_ =	strace $0x80000049;
	[dreg:$0x1] =	wrdreg $0xFFFFFFFF  }
0x1f: {  	s28 =	simm.s32 $_size_execute0_lowered;
	s3 =	sadd.s32 s3, s5;
	[dreg:$0x0] =	wrdreg $0x0  }
0x20: {  	s5 =	sshll.u32 s28, $0x1;
	[dreg:$0x2] =	wrdreg s3  }
0x21: {  	[dreg:$0x3] =	wrdreg s5  }
0x22: {  	[dreg:$0x4] =	wrdreg $0xC0  }
0x23: {  	_ =	task [dreg:s7], $0x5FFFF  }
0x24: {  	[dreg:$0x1] =	wrdreg $0xFFFFFFFF  }
0x25: {  	[dreg:$0x0] =	wrdreg $0x60  }
0x26: {  	[dreg:$0x2] =	wrdreg s25  }
0x27: {  	[dreg:$0x3] =	wrdreg s2  }
0x28: {  	[dreg:$0x4] =	wrdreg $0x9  }
0x29: {  	_ =	task.clear_ibuf [dreg:s7], $0x5FFFF;
	_ =	strace $0x90000049  }
0x2a: {  	s29 =	simm.s32 $0x9;
	_ =	strace $0x8000004B  }
0x2b: {  	_ =	swait.ge [sflag:s29], $0x1  }
0x2c: {  	[sflag:s29] =	ssyncadd.s32 $0xFFFFFFFF  }
0x2d: {  	_ =	strace $0x9000004B  }
0x2e: {  	_ =	sfence  }
0x2f: {  	s30 =	sld [smem:$0x0];
	_ =	sdelay $0x2  }
0x30: {  	s31 =	sshll.u32 s1, $0xD;
	s1 =	sshrl.u32 s1, $0x2  }
0x31: {  	s3 =	sand.u32 $0x4000, s31;
	s1 =	sadd.s32 s1, s30  }
0x32: {  	s0 =	sor.u32 s3, s0;
	s1 =	sshll.u32 s1, $0x11  }
0x33: {  	s0 =	sor.u32 s1, s0  }
0x34: {  	s0 =	sadd.s32 $0x8F2B, s0  }
0x35: {  	[sflag:s0] =	ssyncadd.remote.s32 $0x1  }
0x36: {  	_ =	sfence.sel $0xFFFF  }
0x37: {  	[dreg:$0x0] =	wrdreg $0xFFFFFFFF;
	(pc) =	sbr.abs _section_cstart, $3  }
0x38: {  	[dreg:$0x1] =	wrdreg $0xFFFFFFFF  }
0x39: {  	_ =	task.clear_ibuf [dreg:s7], $0x2FFFF;
	_ =	strace $0x9FFFFFFF  }
0x3a: {  	(tm) =	ssettm $0x7FFFFFFF  }
0x3b: {  	_ =	shalt  }
tec
execute0_lowered:
.L_overlay_start_1:
0x0: {  	(tag) =	ssettag $0x1  }
0x1: {  	s0 =	srdreg.scid  }
0x2: {  	s1 =	sshll.u32 s0, $0x4  }
0x3: {  	s0 =	stileid.u32;
	s1 =	sand.u32 $0x10, s1  }
0x4: {  	s1 =	sor.u32 s0, s1  }
0x5: {  	s6 =	rddreg [dreg:$0x0];
	s4 =	simm.s32 $0x1;
	s2 =	sshll.u32 s1, $0x7  }
0x6: {  	s7 =	simm.s32 $0x2;
	s12 =	simm.s32 $0x0;
	s1 =	ssub.s32 $0x1000, s2  }
0x7: {  	s8 =	simm.s32 $0x8000;
	s13 =	simm.s32 $0x0;
	s3 =	sand.u32 $0xF80, s1  }
0x8: {  	s9 =	simm.s32 $0x0;
	s5 =	sshrl.u32 s1, $0xC;
	p0 =	sne.s32 s3, $0x0  }
.Ltmp0:
0x9: {  	s1 =	rddreg [dreg:$0x2];
	s4 =	simm.s32 @!p0 $0x0;
	(pc) =	sbr.rel .LBB1_1-.Ltmp0, $4  }
0xa: {  	s11 =	simm.s32 $0x0;
	s3 =	rddreg [dreg:$0x1];
	s5 =	sadd.s32 s4, s5  }
0xb: {  	_ =	strace $0x8000004A;
	s4 =	simm.s32 $0x1;
	s5 =	smul.u32 $0xC8, s5  }
0xc: {  	s6 =	sadd.s32 $0xA00, s6;
	s10 =	smov.u32 s2;
	[sflag:s4] =	ssyncpa.u1 $0x0  }
0xd: {  	p0 =	por $0x0, $0x0;
	[sflag:s7] =	ssyncpa.u1 $0x0;
	s7 =	sor.u32 $0x1, s5  }
.LBB1_4:
0xe: {  	s16 =	sshll.u32 s13, $0x3;
	s17 =	sand.u32 $0x78, s13  }
0xf: {  	s30 =	sand.u32 $0x3E00, s13;
	s12 =	sshll.u32 s12, $0xE;
	s16 =	sand.u32 $0xC00, s16  }
0x10: {  	s31 =	sand.u32 $0x7, s13;
	s16 =	sor.u32 s17, s16;
	s17 =	sadd.s32 s3, s30  }
0x11: {  	s13 =	sshll.u32 s31, $0x12;
	s16 =	sshrl.u32 s16, $0x3;
	s12 =	sadd.s32 s12, s17  }
0x12: {  	[tilespmem:s15+$0x0 ss:$0x81] =	vst.msk $0xffff, v0;
	s13 =	sor.u32 $0x400, s13;
	s12 =	sadd.s32 s16, s12  }
0x13: {  	[hbm4b:s12+s13] =	stream.strided.scatter [tilespmem:s14], [sflag:$0x2], $0x1000, s8, s13, $0x20;
	[tilespmem:$0x4040] =	vst v63  }
.LBB1_5:
0x14: {  	s14 =	sadd.s32 $0x1, s9  }
0x15: {  	s12 =	sadd.s32 $0x1000, s10;
	s16 =	smov.u32 s10;
	p2 =	sgt.s32 s14, $0xC7  }
0x16: {  	s16 =	smov.u32 @p2 s12  }
0x17: {  	s14 =	simm.s32 @p2 $0x0;
	p2 =	sgt.s32 s16, $0xFFF  }
0x18: {  	s16 =	smov.u32 @p2 s2;
	p2 =	sne.s32 s11, s7  }
.Ltmp1:
0x19: {  	p1 =	slt.u32 s11, $0x2;
	(pc) =	sbr.rel @!p2 .LBB1_6-.Ltmp1, $4  }
0x1a: {  	s15 =	simm.s32 @!p1 $0x2  }
0x1b: {  	s13 =	smov.u32 s10;
	p0 =	por !p0, !p0;
	_ =	swait.ge @!p1 [sflag:s15], $0x1000  }
0x1c: {  	s12 =	smov.u32 s9;
	[sflag:s15] =	ssyncset.done @!p1 $0x0;
	s9 =	smov.u32 s14  }
0x1d: {  	s11 =	sadd.s32 $0x1, s11;
	[sflag:s15] =	ssyncadd.s32 @!p1 $0xFFFFF000;
	s10 =	smov.u32 s16  }
.LBB1_1:
0x1e: {  	p1 =	sge.u32 s11, s5  }
0x1f: {  	s14 =	sand.u32 @!p1 $0x1FFFFFF, s9  }
0x20: {  	s15 =	smulhi.u32 @!p1 $0x147AE15, s14;
	_ =	sdelay $0x1  }
0x21: {  	s15 =	smul.u32 @!p1 $0xC8, s15  }
0x22: {  	s16 =	sxor.u32 @!p1 $0xFFFFFFFF, s11;
	s17 =	smul.u32 @!p1 $0xC80, s10  }
0x23: {  	s31 =	sadd.s32 $0xFFFFFFFF, s11;
	s16 =	sshll.u32 @!p1 s16, $0xC;
	s14 =	ssub.s32 @!p1 s14, s15  }
0x24: {  	s15 =	sand.u32 @!p1 $0x1000, s16;
	s16 =	sadd.s32 @!p1 s6, s17;
	s14 =	sshll.u32 @!p1 s14, $0x4  }
0x25: {  	s17 =	simm.s32 @!p1 $0x6400;
	s14 =	sadd.s32 @!p1 s14, s16;
	s16 =	simm.s32 @!p1 $0x20  }
0x26: {  	[tilespmem:s15], [sflag:$0x1] =	stream.strided.gather @!p1 [hbm4b:s14+s16], $0x1000, s17, s16, $0x38;
	[tilespmem:$0x4040] =	vst v63  }
0x27: {  	p1 =	sge.u32 s31, s5  }
.Ltmp2:
0x28: {  	_ = 	snop;
	(pc) =	sbr.rel @p1 .LBB1_5-.Ltmp2, $1  }
0x29: {  	_ =	sdelay $0x3  }
0x2a: {  	s14 =	simm.s32 $0x1  }
0x2b: {  	_ =	swait.ge [sflag:s4], $0x1000;
	s14 =	simm.s32 @!p0 $0x0  }
0x2c: {  	[sflag:s4] =	ssyncset.done $0x0;
	s15 =	sshll.u32 s14, $0xC  }
0x2d: {  	[sflag:s4] =	ssyncadd.s32 $0xFFFFF000;
	s18 =	sor.u32 $0x10, s15  }
0x2e: {  	s14 =	smul.u32 $0x4080, s14;
	v1 =	vld [tilespmem:s18+$0x0]  }
0x2f: {  	s30 =	sand.u32 $0x1, s11;
	v0 =	vld [tilespmem:s18+$0xFFFFFFF0]  }
0x30: {  	s15 =	smul.u32 $0x4080, s30;
	s14 =	sshrl.u32 s14, $0x2  }
0x31: {  	s16 =	sor.u32 $0x2000, s14  }
0x32: {  	s31 =	sshrl.u32 s15, $0x2;
	s15 =	sadd.s32 $0x0, s16  }
0x33: {  	s17 =	simm.s32 $0x4;
	s18 =	sadd.s32 $0x20, s18;
	s14 =	sor.u32 $0x2000, s31;
	[tilespmem:s15+$0x810 ss:$0x81] =	vst.msk $0xffff, v1  }
.LBB1_3:
0x34: {  	v1 =	vld [tilespmem:s18+$0x0];
	p1 =	sne.s32 s17, $0x1FC;
	[tilespmem:s15+$0x0 ss:$0x81] =	vst.msk $0xffff, v0;
	s15 =	smov.u32 s17;
	s17 =	sadd.s32 $0x4, s17  }
.Ltmp3:
0x35: {  	v0 =	vld [tilespmem:s18+$0xFFFFFFF0];
	(pc) =	sbr.rel @p1 .LBB1_3-.Ltmp3, $4  }
0x36: {  	_ = 	snop  }
0x37: {  	s15 =	sshra.s32 s15, $0x2  }
0x38: {  	s15 =	sadd.s32 s15, s16  }
0x39: {  	s18 =	sadd.s32 $0x20, s18;
	[tilespmem:s15+$0x810 ss:$0x81] =	vst.msk $0xffff, v1  }
.Ltmp4:
0x3a: {  	_ = 	snop;
	(pc) =	sbr.rel .LBB1_4-.Ltmp4, $1  }
0x3b: {  	_ =	sdelay $0x3  }
.LBB1_6:
0x3c: {  	_ =	sfence.sel $0x180000  }
0x3d: {  	s2 =	simm.s32 $0x1;
	[bflag:$0x0] =	sbarrier.arrive $0xFFFF  }
0x3e: {  	s31 =	simm.s32 $0x2;
	[sflag:s2] =	ssyncpa.u1 $0x1  }
0x3f: {  	[sflag:s31] =	ssyncpa.u1 $0x1  }
0x40: {  	p0 =	sne.s32 s0, $0x0;
	_ =	strace $0x9000004A  }
0x41: {  	s0 =	sadd.s32 @!p0 $0x100000, s1;
	[bflag:$0x2] =	sbarrier.arrive $0xFFFF  }
0x42: {  	[sflag:s0] =	ssyncadd.tile.s32 @!p0 $0x1;
	_ =	shalt  }
.Lfunc_end1:
_tile_overlayer_lowered:
.L_overlay_start_2:
0x43: {  	(tag) =	ssettag $0x2  }
0x44: {  	s0 =	rddreg [dreg:$0x0];
	s2 =	stileid.u32  }
0x45: {  	s1 =	rddreg [dreg:$0x1];
	p0 =	sne.s32 s2, $0x0  }
0x46: {  	s3 =	rddreg [dreg:$0x2];
	[bflag:$0x3] =	sbarrier.arrive $0xFFFF;
	s2 =	simm.s32 @!p0 $0x1C01  }
0x47: {  	[timem:s3], [sflag:s2] =	dma.local @!p0 [hbm:s0], s1  }
0x48: {  	s0 =	simm.s32 @!p0 $0x1  }
0x49: {  	_ =	swait.ge @!p0 [sflag:s0], s1  }
0x4a: {  	s1 =	ssub.s32 @!p0 $0x0, s1;
	[sflag:s0] =	ssyncset.done @!p0 $0x0  }
0x4b: {  	[sflag:s0] =	ssyncadd.s32 @!p0 s1  }
0x4c: {  	[bflag:$0x3] =	sbarrier.arrive $0xFFFF  }
0x4d: {  	_ =	shalt  }

</sc_bundles>
